<compile_context>
chip_gen: v7x
topology: tpu7x:2x2x1
jax: 0.10.2.dev20260603
libtpu: 0.0.44.dev20260713+nightly
codegen_flags: <defaults>
</compile_context>

<pallas_src>
import functools

import jax
import jax.numpy as jnp
from jax import lax
from jax.experimental import pallas as pl
from jax.experimental.pallas import tpu as pltpu
from jax.experimental.pallas import tpu_sc as plsc

_EMBED = 64
_PAD = 128
_SCALE = 8.0

_info = plsc.get_sparse_core_info()
_NC = _info.num_cores
_NS = _info.num_subcores
_L = _info.num_lanes
_NW = _NC * _NS

_CHUNK = 128
_VECS_PER_ROW = _EMBED // _L
_NBUF = 4
_AHEAD = 2
_ROW_UNROLL = 8


def kernel(tokens, table):
    B = tokens.shape[0] * tokens.shape[1]
    n_chunks_total = B // _CHUNK
    n_chunks = n_chunks_total // _NW
    tok2d = tokens.reshape((n_chunks_total, _CHUNK)).astype(jnp.int32)
    tpad = jnp.pad(table, ((0, 0), (0, _PAD - _EMBED)))

    @functools.partial(
        pl.kernel,
        mesh=plsc.VectorSubcoreMesh(core_axis_name="c", subcore_axis_name="s"),
        compiler_params=pltpu.CompilerParams(use_tc_tiling_on_sc=False),
        out_type=jax.ShapeDtypeStruct((B, _PAD), jnp.float32),
        scratch_types=[
            pltpu.VMEM((n_chunks, _CHUNK), jnp.int32),
            pltpu.VMEM((_NBUF, _CHUNK, _PAD), jnp.float32),
            pltpu.SemaphoreType.DMA((_NBUF,)),
            pltpu.SemaphoreType.DMA((_NBUF,)),
        ],
    )
    def _emb(tok_hbm, table_hbm, out_hbm, idx_v, rows_v, gsem, osem):
        wid = lax.axis_index("s") * _NC + lax.axis_index("c")
        cbase = wid * n_chunks

        pltpu.sync_copy(tok_hbm.at[pl.ds(cbase, n_chunks)], idx_v)

        def start_gather(c, b):
            pltpu.async_copy(
                table_hbm.at[idx_v.at[c]], rows_v.at[b], gsem.at[b]
            )

        for c in range(_AHEAD):
            start_gather(c, c % _NBUF)

        def chunk_body(c, carry):
            b = lax.rem(c, _NBUF)
            ca = c + _AHEAD
            ba = lax.rem(ca, _NBUF)

            @pl.when(c >= _NBUF - _AHEAD)
            def _():
                pltpu.make_async_copy(
                    rows_v.at[ba], out_hbm.at[pl.ds(0, _CHUNK)], osem.at[ba]
                ).wait()

            @pl.when(ca < n_chunks)
            def _():
                start_gather(ca, ba)

            pltpu.make_async_copy(
                table_hbm.at[idx_v.at[c]], rows_v.at[b], gsem.at[b]
            ).wait()

            def row_body(i, carry2):
                for k in range(_ROW_UNROLL):
                    r = i * _ROW_UNROLL + k
                    row = r // _VECS_PER_ROW
                    v = r % _VECS_PER_ROW
                    rows_v[b, row, pl.ds(v * _L, _L)] = (
                        rows_v[b, row, pl.ds(v * _L, _L)] * _SCALE
                    )
                return carry2

            lax.fori_loop(0, _CHUNK * _VECS_PER_ROW // _ROW_UNROLL,
                          row_body, 0)

            pltpu.async_copy(
                rows_v.at[b], out_hbm.at[pl.ds((cbase + c) * _CHUNK, _CHUNK)],
                osem.at[b],
            )
            return carry

        lax.fori_loop(0, n_chunks, chunk_body, 0)

        for c in range(n_chunks - (_NBUF - _AHEAD), n_chunks):
            b = c % _NBUF
            pltpu.make_async_copy(
                rows_v.at[b], out_hbm.at[pl.ds(0, _CHUNK)], osem.at[b]
            ).wait()

    out = _emb(tok2d, tpad)
    return out[:, :_EMBED].reshape(tokens.shape + (_EMBED,))

# --- scband reference (transcript-rebuilt; emitter-appended) ---
"""Pipeline reference for scband-token-embedding-90855738180047 (READ-ONLY COPY).

The authoritative reference and input builder live on the scoring server;
editing this copy changes nothing except your own understanding.
"""

import jax, jax.numpy as jnp
import numpy as np
import math

VOCAB = 1000000
EMBED = 64

def setup_inputs(seed: int = 0) -> dict:
    key = jax.random.key(seed)
    k1, k2 = jax.random.split(key)
    tokens = jax.random.randint(k1, (4096, 200), 0, VOCAB, dtype=jnp.int64) if jax.config.read('jax_enable_x64') else jax.random.randint(k1, (4096, 200), 0, VOCAB, dtype=jnp.int32)
    table = jax.random.normal(k2, (VOCAB, EMBED), dtype=jnp.float32)
    return {"tokens": tokens, "table": table}

def reference(tokens, table):
    # embedding lookup: gather rows of the table, then scale by sqrt(embed_size)
    outputs = jnp.take(table, tokens, axis=0)
    outputs_scaled = outputs * math.sqrt(EMBED)
    return outputs_scaled

if __name__ == "__main__":
    import jax
    _d = setup_inputs()
    print(jax.jit(kernel)(*tuple(_d.values())))

</pallas_src>

<mosaic_0001>
#map = affine_map<(d0, d1) -> (0, 0)>
module attributes {stable_mosaic.version = 14 : i64} {
  func.func @_emb(%arg0: i32, %arg1: i32, %arg2: memref<6400x128xi32, #tpu.memory_space<hbm>>, %arg3: memref<1000000x128xf32, #tpu.memory_space<hbm>>, %arg4: memref<819200x128xf32, #tpu.memory_space<hbm>>, %arg5: memref<200x128xi32, #tpu.memory_space<vmem>>, %arg6: memref<4x128x128xf32, #tpu.memory_space<vmem>>, %arg7: memref<4x!tpu.dma_semaphore, #tpu.memory_space<semaphore_mem>>, %arg8: memref<4x!tpu.dma_semaphore, #tpu.memory_space<semaphore_mem>>) attributes {dimension_semantics = [#tpu.dimension_semantics<core_parallel>, #tpu.dimension_semantics<subcore_parallel>], iteration_bounds = array<i64: 2, 16>, scalar_prefetch = 0 : i64, scratch_operands = 4 : i64, tpu.core_type = #tpu.core_type<sc_vector_subcore>, window_params = [{transform_indices = #map}, {transform_indices = #map}, {transform_indices = #map}]} {
    %mul3A = arith.constant 2 : i32
    %mul3A_0 = arith.muli %arg1, %mul3A : i32
    %add3A = arith.addi %mul3A_0, %arg0 : i32
    %mul3A_1 = arith.constant 200 : i32
    %mul3A_2 = arith.muli %add3A, %mul3A_1 : i32
    "tpu.region"() ({
      %run_scoped3A = tpu.sem_alloc : memref<!tpu.dma_semaphore, #tpu.memory_space<semaphore_mem>>
      %dma_start3A_72 = arith.constant 0 : i32
      %dma_start3A_73 = tpu.memref_slice %arg2[%mul3A_2, %dma_start3A_72] : memref<6400x128xi32, #tpu.memory_space<hbm>> -> memref<200x128xi32, #tpu.memory_space<hbm>>
      %dma_start3A_74 = arith.constant 0 : i32
      %dma_start3A_75 = tpu.memref_slice %arg2[%mul3A_2, %dma_start3A_74] : memref<6400x128xi32, #tpu.memory_space<hbm>> -> memref<200x128xi32, #tpu.memory_space<hbm>>
      tpu.enqueue_dma source(%dma_start3A_75 : memref<200x128xi32, #tpu.memory_space<hbm>>) target(%arg5 : memref<200x128xi32, #tpu.memory_space<vmem>>) target_semaphore(%run_scoped3A : memref<!tpu.dma_semaphore, #tpu.memory_space<semaphore_mem>>)
      %dma_wait3A_76 = arith.constant 0 : i32
      %dma_wait3A_77 = tpu.memref_slice %arg2[%mul3A_2, %dma_wait3A_76] : memref<6400x128xi32, #tpu.memory_space<hbm>> -> memref<200x128xi32, #tpu.memory_space<hbm>>
      %dma_wait3A_78 = arith.constant 0 : i32
      %dma_wait3A_79 = tpu.memref_slice %arg2[%mul3A_2, %dma_wait3A_78] : memref<6400x128xi32, #tpu.memory_space<hbm>> -> memref<200x128xi32, #tpu.memory_space<hbm>>
      tpu.wait_dma2 semaphore(%run_scoped3A : memref<!tpu.dma_semaphore, #tpu.memory_space<semaphore_mem>>) src(%dma_wait3A_79 : memref<200x128xi32, #tpu.memory_space<hbm>>) dst(%arg5 : memref<200x128xi32, #tpu.memory_space<vmem>>)
      tpu.yield
    }) : () -> ()
    %dma_start3A = arith.constant 0 : i32
    %dma_start3A_3 = arith.constant 0 : i32
    %dma_start3A_4 = arith.constant 0 : i32
    %dma_start3A_5 = arith.constant 0 : i32
    %dma_start3A_6 = arith.constant 0 : i32
    %dma_start3A_7 = tpu.memref_slice %arg6[%dma_start3A_3, %dma_start3A_5, %dma_start3A_6] : memref<4x128x128xf32, #tpu.memory_space<vmem>> -> memref<1x128x128xf32, #tpu.memory_space<vmem>>
    %dma_start3A_8 = tpu.memref_squeeze %dma_start3A_7 : memref<1x128x128xf32, #tpu.memory_space<vmem>> -> memref<128x128xf32, #tpu.memory_space<vmem>>
    %dma_start3A_9 = arith.constant 0 : i32
    %dma_start3A_10 = tpu.memref_slice %arg5[%dma_start3A, %dma_start3A_9] : memref<200x128xi32, #tpu.memory_space<vmem>> -> memref<1x128xi32, #tpu.memory_space<vmem>>
    %dma_start3A_11 = tpu.memref_squeeze %dma_start3A_10 : memref<1x128xi32, #tpu.memory_space<vmem>> -> memref<128xi32, #tpu.memory_space<vmem>>
    %dma_start3A_12 = arith.constant 0 : i32
    %dma_start3A_13 = arith.constant 0 : i32
    %dma_start3A_14 = tpu.memref_slice %arg3[%dma_start3A_12, %dma_start3A_13] : memref<1000000x128xf32, #tpu.memory_space<hbm>> -> memref<1000000x128xf32, #tpu.memory_space<hbm>>
    %dma_start3A_15 = tpu.memref_slice %arg7[%dma_start3A_4] : memref<4x!tpu.dma_semaphore, #tpu.memory_space<semaphore_mem>> -> memref<1x!tpu.dma_semaphore, #tpu.memory_space<semaphore_mem>>
    %dma_start3A_16 = tpu.memref_squeeze %dma_start3A_15 : memref<1x!tpu.dma_semaphore, #tpu.memory_space<semaphore_mem>> -> memref<!tpu.dma_semaphore, #tpu.memory_space<semaphore_mem>>
    tpu.enqueue_indirect_dma source(%dma_start3A_14 : memref<1000000x128xf32, #tpu.memory_space<hbm>>) target(%dma_start3A_8 : memref<128x128xf32, #tpu.memory_space<vmem>>) offsets(%dma_start3A_11 : memref<128xi32, #tpu.memory_space<vmem>>) semaphore(%dma_start3A_16 : memref<!tpu.dma_semaphore, #tpu.memory_space<semaphore_mem>>)
    %dma_start3A_17 = arith.constant 1 : i32
    %dma_start3A_18 = arith.constant 1 : i32
    %dma_start3A_19 = arith.constant 1 : i32
    %dma_start3A_20 = arith.constant 0 : i32
    %dma_start3A_21 = arith.constant 0 : i32
    %dma_start3A_22 = tpu.memref_slice %arg6[%dma_start3A_18, %dma_start3A_20, %dma_start3A_21] : memref<4x128x128xf32, #tpu.memory_space<vmem>> -> memref<1x128x128xf32, #tpu.memory_space<vmem>>
    %dma_start3A_23 = tpu.memref_squeeze %dma_start3A_22 : memref<1x128x128xf32, #tpu.memory_space<vmem>> -> memref<128x128xf32, #tpu.memory_space<vmem>>
    %dma_start3A_24 = arith.constant 0 : i32
    %dma_start3A_25 = tpu.memref_slice %arg5[%dma_start3A_17, %dma_start3A_24] : memref<200x128xi32, #tpu.memory_space<vmem>> -> memref<1x128xi32, #tpu.memory_space<vmem>>
    %dma_start3A_26 = tpu.memref_squeeze %dma_start3A_25 : memref<1x128xi32, #tpu.memory_space<vmem>> -> memref<128xi32, #tpu.memory_space<vmem>>
    %dma_start3A_27 = arith.constant 0 : i32
    %dma_start3A_28 = arith.constant 0 : i32
    %dma_start3A_29 = tpu.memref_slice %arg3[%dma_start3A_27, %dma_start3A_28] : memref<1000000x128xf32, #tpu.memory_space<hbm>> -> memref<1000000x128xf32, #tpu.memory_space<hbm>>
    %dma_start3A_30 = tpu.memref_slice %arg7[%dma_start3A_19] : memref<4x!tpu.dma_semaphore, #tpu.memory_space<semaphore_mem>> -> memref<1x!tpu.dma_semaphore, #tpu.memory_space<semaphore_mem>>
    %dma_start3A_31 = tpu.memref_squeeze %dma_start3A_30 : memref<1x!tpu.dma_semaphore, #tpu.memory_space<semaphore_mem>> -> memref<!tpu.dma_semaphore, #tpu.memory_space<semaphore_mem>>
    tpu.enqueue_indirect_dma source(%dma_start3A_29 : memref<1000000x128xf32, #tpu.memory_space<hbm>>) target(%dma_start3A_23 : memref<128x128xf32, #tpu.memory_space<vmem>>) offsets(%dma_start3A_26 : memref<128xi32, #tpu.memory_space<vmem>>) semaphore(%dma_start3A_31 : memref<!tpu.dma_semaphore, #tpu.memory_space<semaphore_mem>>)
    %scan3A = arith.constant 0 : i32
    %scan3A_32 = arith.constant 0 : i32
    %scan3A_33 = arith.constant 200 : i32
    %scan3A_34 = arith.addi %scan3A_32, %scan3A_33 : i32
    %scan3A_35 = arith.constant 1 : i32
    scf.for %scan3A_72 = %scan3A_32 to %scan3A_34 step %scan3A_35  : i32 {
      %rem3A = arith.constant 4 : i32
      %rem3A_73 = arith.remsi %scan3A_72, %rem3A : i32
      %add3A_74 = arith.constant 2 : i32
      %add3A_75 = arith.addi %scan3A_72, %add3A_74 : i32
      %rem3A_76 = arith.constant 4 : i32
      %rem3A_77 = arith.remsi %add3A_75, %rem3A_76 : i32
      %ge3A = arith.constant 2 : i32
      %ge3A_78 = arith.cmpi sge, %scan3A_72, %ge3A : i32
      %convert_element_type3A = arith.extui %ge3A_78 : i1 to i32
      %cond3A = arith.constant 0 : i32
      %cond3A_79 = arith.cmpi ne, %convert_element_type3A, %cond3A : i32
      scf.if %cond3A_79 {
        %dma_wait3A_119 = arith.constant 0 : i32
        %dma_wait3A_120 = arith.constant 0 : i32
        %dma_wait3A_121 = tpu.memref_slice %arg6[%rem3A_77, %dma_wait3A_119, %dma_wait3A_120] : memref<4x128x128xf32, #tpu.memory_space<vmem>> -> memref<1x128x128xf32, #tpu.memory_space<vmem>>
        %dma_wait3A_122 = tpu.memref_squeeze %dma_wait3A_121 : memref<1x128x128xf32, #tpu.memory_space<vmem>> -> memref<128x128xf32, #tpu.memory_space<vmem>>
        %dma_wait3A_123 = arith.constant 0 : i32
        %dma_wait3A_124 = arith.constant 0 : i32
        %dma_wait3A_125 = tpu.memref_slice %arg4[%dma_wait3A_123, %dma_wait3A_124] : memref<819200x128xf32, #tpu.memory_space<hbm>> -> memref<128x128xf32, #tpu.memory_space<hbm>>
        %dma_wait3A_126 = tpu.memref_slice %arg8[%rem3A_77] : memref<4x!tpu.dma_semaphore, #tpu.memory_space<semaphore_mem>> -> memref<1x!tpu.dma_semaphore, #tpu.memory_space<semaphore_mem>>
        %dma_wait3A_127 = tpu.memref_squeeze %dma_wait3A_126 : memref<1x!tpu.dma_semaphore, #tpu.memory_space<semaphore_mem>> -> memref<!tpu.dma_semaphore, #tpu.memory_space<semaphore_mem>>
        %dma_wait3A_128 = arith.constant 0 : i32
        %dma_wait3A_129 = arith.constant 0 : i32
        %dma_wait3A_130 = tpu.memref_slice %arg4[%dma_wait3A_128, %dma_wait3A_129] : memref<819200x128xf32, #tpu.memory_space<hbm>> -> memref<128x128xf32, #tpu.memory_space<hbm>>
        %dma_wait3A_131 = arith.constant 0 : i32
        %dma_wait3A_132 = arith.constant 0 : i32
        %dma_wait3A_133 = tpu.memref_slice %arg6[%rem3A_77, %dma_wait3A_131, %dma_wait3A_132] : memref<4x128x128xf32, #tpu.memory_space<vmem>> -> memref<1x128x128xf32, #tpu.memory_space<vmem>>
        %dma_wait3A_134 = tpu.memref_squeeze %dma_wait3A_133 : memref<1x128x128xf32, #tpu.memory_space<vmem>> -> memref<128x128xf32, #tpu.memory_space<vmem>>
        tpu.wait_dma2 semaphore(%dma_wait3A_127 : memref<!tpu.dma_semaphore, #tpu.memory_space<semaphore_mem>>) src(%dma_wait3A_134 : memref<128x128xf32, #tpu.memory_space<vmem>>) dst(%dma_wait3A_130 : memref<128x128xf32, #tpu.memory_space<hbm>>)
      } else {
      }
      %lt3A = arith.constant 200 : i32
      %lt3A_80 = arith.cmpi slt, %add3A_75, %lt3A : i32
      %convert_element_type3A_81 = arith.extui %lt3A_80 : i1 to i32
      %cond3A_82 = arith.constant 0 : i32
      %cond3A_83 = arith.cmpi ne, %convert_element_type3A_81, %cond3A_82 : i32
      scf.if %cond3A_83 {
        %dma_start3A_119 = arith.constant 0 : i32
        %dma_start3A_120 = arith.constant 0 : i32
        %dma_start3A_121 = tpu.memref_slice %arg6[%rem3A_77, %dma_start3A_119, %dma_start3A_120] : memref<4x128x128xf32, #tpu.memory_space<vmem>> -> memref<1x128x128xf32, #tpu.memory_space<vmem>>
        %dma_start3A_122 = tpu.memref_squeeze %dma_start3A_121 : memref<1x128x128xf32, #tpu.memory_space<vmem>> -> memref<128x128xf32, #tpu.memory_space<vmem>>
        %dma_start3A_123 = arith.constant 0 : i32
        %dma_start3A_124 = tpu.memref_slice %arg5[%add3A_75, %dma_start3A_123] : memref<200x128xi32, #tpu.memory_space<vmem>> -> memref<1x128xi32, #tpu.memory_space<vmem>>
        %dma_start3A_125 = tpu.memref_squeeze %dma_start3A_124 : memref<1x128xi32, #tpu.memory_space<vmem>> -> memref<128xi32, #tpu.memory_space<vmem>>
        %dma_start3A_126 = arith.constant 0 : i32
        %dma_start3A_127 = arith.constant 0 : i32
        %dma_start3A_128 = tpu.memref_slice %arg3[%dma_start3A_126, %dma_start3A_127] : memref<1000000x128xf32, #tpu.memory_space<hbm>> -> memref<1000000x128xf32, #tpu.memory_space<hbm>>
        %dma_start3A_129 = tpu.memref_slice %arg7[%rem3A_77] : memref<4x!tpu.dma_semaphore, #tpu.memory_space<semaphore_mem>> -> memref<1x!tpu.dma_semaphore, #tpu.memory_space<semaphore_mem>>
        %dma_start3A_130 = tpu.memref_squeeze %dma_start3A_129 : memref<1x!tpu.dma_semaphore, #tpu.memory_space<semaphore_mem>> -> memref<!tpu.dma_semaphore, #tpu.memory_space<semaphore_mem>>
        tpu.enqueue_indirect_dma source(%dma_start3A_128 : memref<1000000x128xf32, #tpu.memory_space<hbm>>) target(%dma_start3A_122 : memref<128x128xf32, #tpu.memory_space<vmem>>) offsets(%dma_start3A_125 : memref<128xi32, #tpu.memory_space<vmem>>) semaphore(%dma_start3A_130 : memref<!tpu.dma_semaphore, #tpu.memory_space<semaphore_mem>>)
      } else {
      }
      %dma_wait3A_84 = arith.constant 0 : i32
      %dma_wait3A_85 = arith.constant 0 : i32
      %dma_wait3A_86 = tpu.memref_slice %arg6[%rem3A_73, %dma_wait3A_84, %dma_wait3A_85] : memref<4x128x128xf32, #tpu.memory_space<vmem>> -> memref<1x128x128xf32, #tpu.memory_space<vmem>>
      %dma_wait3A_87 = tpu.memref_squeeze %dma_wait3A_86 : memref<1x128x128xf32, #tpu.memory_space<vmem>> -> memref<128x128xf32, #tpu.memory_space<vmem>>
      %dma_wait3A_88 = arith.constant 0 : i32
      %dma_wait3A_89 = tpu.memref_slice %arg5[%scan3A_72, %dma_wait3A_88] : memref<200x128xi32, #tpu.memory_space<vmem>> -> memref<1x128xi32, #tpu.memory_space<vmem>>
      %dma_wait3A_90 = tpu.memref_squeeze %dma_wait3A_89 : memref<1x128xi32, #tpu.memory_space<vmem>> -> memref<128xi32, #tpu.memory_space<vmem>>
      %dma_wait3A_91 = arith.constant 0 : i32
      %dma_wait3A_92 = arith.constant 0 : i32
      %dma_wait3A_93 = tpu.memref_slice %arg3[%dma_wait3A_91, %dma_wait3A_92] : memref<1000000x128xf32, #tpu.memory_space<hbm>> -> memref<1000000x128xf32, #tpu.memory_space<hbm>>
      %dma_wait3A_94 = tpu.memref_slice %arg7[%rem3A_73] : memref<4x!tpu.dma_semaphore, #tpu.memory_space<semaphore_mem>> -> memref<1x!tpu.dma_semaphore, #tpu.memory_space<semaphore_mem>>
      %dma_wait3A_95 = tpu.memref_squeeze %dma_wait3A_94 : memref<1x!tpu.dma_semaphore, #tpu.memory_space<semaphore_mem>> -> memref<!tpu.dma_semaphore, #tpu.memory_space<semaphore_mem>>
      tpu.wait_indirect_dma semaphore(%dma_wait3A_95 : memref<!tpu.dma_semaphore, #tpu.memory_space<semaphore_mem>>) src(%dma_wait3A_93 : memref<1000000x128xf32, #tpu.memory_space<hbm>>) dst(%dma_wait3A_87 : memref<128x128xf32, #tpu.memory_space<vmem>>)
      %scan3A_96 = arith.constant 0 : i32
      %scan3A_97 = arith.constant 0 : i32
      %scan3A_98 = arith.constant 64 : i32
      %scan3A_99 = arith.addi %scan3A_97, %scan3A_98 : i32
      %scan3A_100 = arith.constant 1 : i32
      scf.for %scan3A_119 = %scan3A_97 to %scan3A_99 step %scan3A_100  : i32 {
        %mul3A_120 = arith.constant 8 : i32
        %mul3A_121 = arith.muli %scan3A_119, %mul3A_120 : i32
        %add3A_122 = arith.constant 0 : i32
        %add3A_123 = arith.addi %mul3A_121, %add3A_122 : i32
        %jit3A = arith.constant 4 : i32
        %div3A = arith.divsi %add3A_123, %jit3A : i32
        %sign3A = arith.constant 0 : i32
        %sign3A_124 = arith.cmpi sgt, %add3A_123, %sign3A : i32
        %sign3A_125 = arith.extui %sign3A_124 : i1 to i32
        %sign3A_126 = arith.constant 0 : i32
        %sign3A_127 = arith.cmpi slt, %add3A_123, %sign3A_126 : i32
        %sign3A_128 = arith.extui %sign3A_127 : i1 to i32
        %sign3A_129 = arith.subi %sign3A_125, %sign3A_128 : i32
        %sign3A_130 = arith.constant 0 : i32
        %sign3A_131 = arith.cmpi sgt, %jit3A, %sign3A_130 : i32
        %sign3A_132 = arith.extui %sign3A_131 : i1 to i32
        %sign3A_133 = arith.constant 0 : i32
        %sign3A_134 = arith.cmpi slt, %jit3A, %sign3A_133 : i32
        %sign3A_135 = arith.extui %sign3A_134 : i1 to i32
        %sign3A_136 = arith.subi %sign3A_132, %sign3A_135 : i32
        %ne3A = arith.cmpi ne, %sign3A_129, %sign3A_136 : i32
        %rem3A_137 = arith.remsi %add3A_123, %jit3A : i32
        %ne3A_138 = arith.constant 0 : i32
        %ne3A_139 = arith.cmpi ne, %rem3A_137, %ne3A_138 : i32
        %and3A = arith.andi %ne3A, %ne3A_139 : i1
        %sub3A = arith.constant 1 : i32
        %sub3A_140 = arith.subi %div3A, %sub3A : i32
        %select_n3A = arith.select %and3A, %sub3A_140, %div3A : i32
        %jit3A_141 = arith.constant 4 : i32
        %eq3A = arith.constant 0 : i32
        %eq3A_142 = arith.cmpi eq, %jit3A_141, %eq3A : i32
        %jit3A_143 = arith.constant 1 : i32
        %select_n3A_144 = arith.select %eq3A_142, %jit3A_143, %jit3A_141 : i32
        %rem3A_145 = arith.remsi %add3A_123, %select_n3A_144 : i32
        %ne3A_146 = arith.constant 0 : i32
        %ne3A_147 = arith.cmpi ne, %rem3A_145, %ne3A_146 : i32
        %lt3A_148 = arith.constant 0 : i32
        %lt3A_149 = arith.cmpi slt, %rem3A_145, %lt3A_148 : i32
        %lt3A_150 = arith.constant 0 : i32
        %lt3A_151 = arith.cmpi slt, %select_n3A_144, %lt3A_150 : i32
        %ne3A_152 = arith.xori %lt3A_149, %lt3A_151 : i1
        %and3A_153 = arith.andi %ne3A_152, %ne3A_147 : i1
        %add3A_154 = arith.addi %rem3A_145, %select_n3A_144 : i32
        %select_n3A_155 = arith.select %and3A_153, %add3A_154, %rem3A_145 : i32
        %mul3A_156 = arith.constant 16 : i32
        %mul3A_157 = arith.muli %select_n3A_155, %mul3A_156 : i32
        %get3A = arith.index_cast %rem3A_73 : i32 to index
        %get3A_158 = arith.index_cast %select_n3A : i32 to index
        %get3A_159 = arith.index_cast %mul3A_157 : i32 to index
        %get3A_160 = tpu.vector_load %arg6[%get3A, %get3A_158, %get3A_159] {strides = array<i32>} : memref<4x128x128xf32, #tpu.memory_space<vmem>>, vector<1x1x16xf32>,
        %get3A_161 = vector.shape_cast %get3A_160 : vector<1x1x16xf32> to vector<16xf32>
        %mul3A_162 = arith.constant 8.000000e+00 : f32
        %mul3A_163 = vector.broadcast %mul3A_162 : f32 to vector<16xf32>
        %mul3A_164 = arith.mulf %get3A_161, %mul3A_163 : vector<16xf32>
        %mul3A_165 = arith.constant 16 : i32
        %mul3A_166 = arith.muli %select_n3A_155, %mul3A_165 : i32
        %swap3A = arith.index_cast %rem3A_73 : i32 to index
        %swap3A_167 = arith.index_cast %select_n3A : i32 to index
        %swap3A_168 = arith.index_cast %mul3A_166 : i32 to index
        %swap3A_169 = tpu.vector_load %arg6[%swap3A, %swap3A_167, %swap3A_168] {strides = array<i32>} : memref<4x128x128xf32, #tpu.memory_space<vmem>>, vector<1x1x16xf32>,
        %swap3A_170 = vector.shape_cast %swap3A_169 : vector<1x1x16xf32> to vector<16xf32>
        %swap3A_171 = vector.shape_cast %mul3A_164 : vector<16xf32> to vector<1x1x16xf32>
        tpu.vector_store %arg6[%swap3A, %swap3A_167, %swap3A_168], %swap3A_171 {strides = array<i32>} : memref<4x128x128xf32, #tpu.memory_space<vmem>>, vector<1x1x16xf32>,
        %mul3A_172 = arith.constant 8 : i32
        %mul3A_173 = arith.muli %scan3A_119, %mul3A_172 : i32
        %add3A_174 = arith.constant 1 : i32
        %add3A_175 = arith.addi %mul3A_173, %add3A_174 : i32
        %jit3A_176 = arith.constant 4 : i32
        %div3A_177 = arith.divsi %add3A_175, %jit3A_176 : i32
        %sign3A_178 = arith.constant 0 : i32
        %sign3A_179 = arith.cmpi sgt, %add3A_175, %sign3A_178 : i32
        %sign3A_180 = arith.extui %sign3A_179 : i1 to i32
        %sign3A_181 = arith.constant 0 : i32
        %sign3A_182 = arith.cmpi slt, %add3A_175, %sign3A_181 : i32
        %sign3A_183 = arith.extui %sign3A_182 : i1 to i32
        %sign3A_184 = arith.subi %sign3A_180, %sign3A_183 : i32
        %sign3A_185 = arith.constant 0 : i32
        %sign3A_186 = arith.cmpi sgt, %jit3A_176, %sign3A_185 : i32
        %sign3A_187 = arith.extui %sign3A_186 : i1 to i32
        %sign3A_188 = arith.constant 0 : i32
        %sign3A_189 = arith.cmpi slt, %jit3A_176, %sign3A_188 : i32
        %sign3A_190 = arith.extui %sign3A_189 : i1 to i32
        %sign3A_191 = arith.subi %sign3A_187, %sign3A_190 : i32
        %ne3A_192 = arith.cmpi ne, %sign3A_184, %sign3A_191 : i32
        %rem3A_193 = arith.remsi %add3A_175, %jit3A_176 : i32
        %ne3A_194 = arith.constant 0 : i32
        %ne3A_195 = arith.cmpi ne, %rem3A_193, %ne3A_194 : i32
        %and3A_196 = arith.andi %ne3A_192, %ne3A_195 : i1
        %sub3A_197 = arith.constant 1 : i32
        %sub3A_198 = arith.subi %div3A_177, %sub3A_197 : i32
        %select_n3A_199 = arith.select %and3A_196, %sub3A_198, %div3A_177 : i32
        %jit3A_200 = arith.constant 4 : i32
        %eq3A_201 = arith.constant 0 : i32
        %eq3A_202 = arith.cmpi eq, %jit3A_200, %eq3A_201 : i32
        %jit3A_203 = arith.constant 1 : i32
        %select_n3A_204 = arith.select %eq3A_202, %jit3A_203, %jit3A_200 : i32
        %rem3A_205 = arith.remsi %add3A_175, %select_n3A_204 : i32
        %ne3A_206 = arith.constant 0 : i32
        %ne3A_207 = arith.cmpi ne, %rem3A_205, %ne3A_206 : i32
        %lt3A_208 = arith.constant 0 : i32
        %lt3A_209 = arith.cmpi slt, %rem3A_205, %lt3A_208 : i32
        %lt3A_210 = arith.constant 0 : i32
        %lt3A_211 = arith.cmpi slt, %select_n3A_204, %lt3A_210 : i32
        %ne3A_212 = arith.xori %lt3A_209, %lt3A_211 : i1
        %and3A_213 = arith.andi %ne3A_212, %ne3A_207 : i1
        %add3A_214 = arith.addi %rem3A_205, %select_n3A_204 : i32
        %select_n3A_215 = arith.select %and3A_213, %add3A_214, %rem3A_205 : i32
        %mul3A_216 = arith.constant 16 : i32
        %mul3A_217 = arith.muli %select_n3A_215, %mul3A_216 : i32
        %get3A_218 = arith.index_cast %rem3A_73 : i32 to index
        %get3A_219 = arith.index_cast %select_n3A_199 : i32 to index
        %get3A_220 = arith.index_cast %mul3A_217 : i32 to index
        %get3A_221 = tpu.vector_load %arg6[%get3A_218, %get3A_219, %get3A_220] {strides = array<i32>} : memref<4x128x128xf32, #tpu.memory_space<vmem>>, vector<1x1x16xf32>,
        %get3A_222 = vector.shape_cast %get3A_221 : vector<1x1x16xf32> to vector<16xf32>
        %mul3A_223 = arith.constant 8.000000e+00 : f32
        %mul3A_224 = vector.broadcast %mul3A_223 : f32 to vector<16xf32>
        %mul3A_225 = arith.mulf %get3A_222, %mul3A_224 : vector<16xf32>
        %mul3A_226 = arith.constant 16 : i32
        %mul3A_227 = arith.muli %select_n3A_215, %mul3A_226 : i32
        %swap3A_228 = arith.index_cast %rem3A_73 : i32 to index
        %swap3A_229 = arith.index_cast %select_n3A_199 : i32 to index
        %swap3A_230 = arith.index_cast %mul3A_227 : i32 to index
        %swap3A_231 = tpu.vector_load %arg6[%swap3A_228, %swap3A_229, %swap3A_230] {strides = array<i32>} : memref<4x128x128xf32, #tpu.memory_space<vmem>>, vector<1x1x16xf32>,
        %swap3A_232 = vector.shape_cast %swap3A_231 : vector<1x1x16xf32> to vector<16xf32>
        %swap3A_233 = vector.shape_cast %mul3A_225 : vector<16xf32> to vector<1x1x16xf32>
        tpu.vector_store %arg6[%swap3A_228, %swap3A_229, %swap3A_230], %swap3A_233 {strides = array<i32>} : memref<4x128x128xf32, #tpu.memory_space<vmem>>, vector<1x1x16xf32>,
        %mul3A_234 = arith.constant 8 : i32
        %mul3A_235 = arith.muli %scan3A_119, %mul3A_234 : i32
        %add3A_236 = arith.constant 2 : i32
        %add3A_237 = arith.addi %mul3A_235, %add3A_236 : i32
        %jit3A_238 = arith.constant 4 : i32
        %div3A_239 = arith.divsi %add3A_237, %jit3A_238 : i32
        %sign3A_240 = arith.constant 0 : i32
        %sign3A_241 = arith.cmpi sgt, %add3A_237, %sign3A_240 : i32
        %sign3A_242 = arith.extui %sign3A_241 : i1 to i32
        %sign3A_243 = arith.constant 0 : i32
        %sign3A_244 = arith.cmpi slt, %add3A_237, %sign3A_243 : i32
        %sign3A_245 = arith.extui %sign3A_244 : i1 to i32
        %sign3A_246 = arith.subi %sign3A_242, %sign3A_245 : i32
        %sign3A_247 = arith.constant 0 : i32
        %sign3A_248 = arith.cmpi sgt, %jit3A_238, %sign3A_247 : i32
        %sign3A_249 = arith.extui %sign3A_248 : i1 to i32
        %sign3A_250 = arith.constant 0 : i32
        %sign3A_251 = arith.cmpi slt, %jit3A_238, %sign3A_250 : i32
        %sign3A_252 = arith.extui %sign3A_251 : i1 to i32
        %sign3A_253 = arith.subi %sign3A_249, %sign3A_252 : i32
        %ne3A_254 = arith.cmpi ne, %sign3A_246, %sign3A_253 : i32
        %rem3A_255 = arith.remsi %add3A_237, %jit3A_238 : i32
        %ne3A_256 = arith.constant 0 : i32
        %ne3A_257 = arith.cmpi ne, %rem3A_255, %ne3A_256 : i32
        %and3A_258 = arith.andi %ne3A_254, %ne3A_257 : i1
        %sub3A_259 = arith.constant 1 : i32
        %sub3A_260 = arith.subi %div3A_239, %sub3A_259 : i32
        %select_n3A_261 = arith.select %and3A_258, %sub3A_260, %div3A_239 : i32
        %jit3A_262 = arith.constant 4 : i32
        %eq3A_263 = arith.constant 0 : i32
        %eq3A_264 = arith.cmpi eq, %jit3A_262, %eq3A_263 : i32
        %jit3A_265 = arith.constant 1 : i32
        %select_n3A_266 = arith.select %eq3A_264, %jit3A_265, %jit3A_262 : i32
        %rem3A_267 = arith.remsi %add3A_237, %select_n3A_266 : i32
        %ne3A_268 = arith.constant 0 : i32
        %ne3A_269 = arith.cmpi ne, %rem3A_267, %ne3A_268 : i32
        %lt3A_270 = arith.constant 0 : i32
        %lt3A_271 = arith.cmpi slt, %rem3A_267, %lt3A_270 : i32
        %lt3A_272 = arith.constant 0 : i32
        %lt3A_273 = arith.cmpi slt, %select_n3A_266, %lt3A_272 : i32
        %ne3A_274 = arith.xori %lt3A_271, %lt3A_273 : i1
        %and3A_275 = arith.andi %ne3A_274, %ne3A_269 : i1
        %add3A_276 = arith.addi %rem3A_267, %select_n3A_266 : i32
        %select_n3A_277 = arith.select %and3A_275, %add3A_276, %rem3A_267 : i32
        %mul3A_278 = arith.constant 16 : i32
        %mul3A_279 = arith.muli %select_n3A_277, %mul3A_278 : i32
        %get3A_280 = arith.index_cast %rem3A_73 : i32 to index
        %get3A_281 = arith.index_cast %select_n3A_261 : i32 to index
        %get3A_282 = arith.index_cast %mul3A_279 : i32 to index
        %get3A_283 = tpu.vector_load %arg6[%get3A_280, %get3A_281, %get3A_282] {strides = array<i32>} : memref<4x128x128xf32, #tpu.memory_space<vmem>>, vector<1x1x16xf32>,
        %get3A_284 = vector.shape_cast %get3A_283 : vector<1x1x16xf32> to vector<16xf32>
        %mul3A_285 = arith.constant 8.000000e+00 : f32
        %mul3A_286 = vector.broadcast %mul3A_285 : f32 to vector<16xf32>
        %mul3A_287 = arith.mulf %get3A_284, %mul3A_286 : vector<16xf32>
        %mul3A_288 = arith.constant 16 : i32
        %mul3A_289 = arith.muli %select_n3A_277, %mul3A_288 : i32
        %swap3A_290 = arith.index_cast %rem3A_73 : i32 to index
        %swap3A_291 = arith.index_cast %select_n3A_261 : i32 to index
        %swap3A_292 = arith.index_cast %mul3A_289 : i32 to index
        %swap3A_293 = tpu.vector_load %arg6[%swap3A_290, %swap3A_291, %swap3A_292] {strides = array<i32>} : memref<4x128x128xf32, #tpu.memory_space<vmem>>, vector<1x1x16xf32>,
        %swap3A_294 = vector.shape_cast %swap3A_293 : vector<1x1x16xf32> to vector<16xf32>
        %swap3A_295 = vector.shape_cast %mul3A_287 : vector<16xf32> to vector<1x1x16xf32>
        tpu.vector_store %arg6[%swap3A_290, %swap3A_291, %swap3A_292], %swap3A_295 {strides = array<i32>} : memref<4x128x128xf32, #tpu.memory_space<vmem>>, vector<1x1x16xf32>,
        %mul3A_296 = arith.constant 8 : i32
        %mul3A_297 = arith.muli %scan3A_119, %mul3A_296 : i32
        %add3A_298 = arith.constant 3 : i32
        %add3A_299 = arith.addi %mul3A_297, %add3A_298 : i32
        %jit3A_300 = arith.constant 4 : i32
        %div3A_301 = arith.divsi %add3A_299, %jit3A_300 : i32
        %sign3A_302 = arith.constant 0 : i32
        %sign3A_303 = arith.cmpi sgt, %add3A_299, %sign3A_302 : i32
        %sign3A_304 = arith.extui %sign3A_303 : i1 to i32
        %sign3A_305 = arith.constant 0 : i32
        %sign3A_306 = arith.cmpi slt, %add3A_299, %sign3A_305 : i32
        %sign3A_307 = arith.extui %sign3A_306 : i1 to i32
        %sign3A_308 = arith.subi %sign3A_304, %sign3A_307 : i32
        %sign3A_309 = arith.constant 0 : i32
        %sign3A_310 = arith.cmpi sgt, %jit3A_300, %sign3A_309 : i32
        %sign3A_311 = arith.extui %sign3A_310 : i1 to i32
        %sign3A_312 = arith.constant 0 : i32
        %sign3A_313 = arith.cmpi slt, %jit3A_300, %sign3A_312 : i32
        %sign3A_314 = arith.extui %sign3A_313 : i1 to i32
        %sign3A_315 = arith.subi %sign3A_311, %sign3A_314 : i32
        %ne3A_316 = arith.cmpi ne, %sign3A_308, %sign3A_315 : i32
        %rem3A_317 = arith.remsi %add3A_299, %jit3A_300 : i32
        %ne3A_318 = arith.constant 0 : i32
        %ne3A_319 = arith.cmpi ne, %rem3A_317, %ne3A_318 : i32
        %and3A_320 = arith.andi %ne3A_316, %ne3A_319 : i1
        %sub3A_321 = arith.constant 1 : i32
        %sub3A_322 = arith.subi %div3A_301, %sub3A_321 : i32
        %select_n3A_323 = arith.select %and3A_320, %sub3A_322, %div3A_301 : i32
        %jit3A_324 = arith.constant 4 : i32
        %eq3A_325 = arith.constant 0 : i32
        %eq3A_326 = arith.cmpi eq, %jit3A_324, %eq3A_325 : i32
        %jit3A_327 = arith.constant 1 : i32
        %select_n3A_328 = arith.select %eq3A_326, %jit3A_327, %jit3A_324 : i32
        %rem3A_329 = arith.remsi %add3A_299, %select_n3A_328 : i32
        %ne3A_330 = arith.constant 0 : i32
        %ne3A_331 = arith.cmpi ne, %rem3A_329, %ne3A_330 : i32
        %lt3A_332 = arith.constant 0 : i32
        %lt3A_333 = arith.cmpi slt, %rem3A_329, %lt3A_332 : i32
        %lt3A_334 = arith.constant 0 : i32
        %lt3A_335 = arith.cmpi slt, %select_n3A_328, %lt3A_334 : i32
        %ne3A_336 = arith.xori %lt3A_333, %lt3A_335 : i1
        %and3A_337 = arith.andi %ne3A_336, %ne3A_331 : i1
        %add3A_338 = arith.addi %rem3A_329, %select_n3A_328 : i32
        %select_n3A_339 = arith.select %and3A_337, %add3A_338, %rem3A_329 : i32
        %mul3A_340 = arith.constant 16 : i32
        %mul3A_341 = arith.muli %select_n3A_339, %mul3A_340 : i32
        %get3A_342 = arith.index_cast %rem3A_73 : i32 to index
        %get3A_343 = arith.index_cast %select_n3A_323 : i32 to index
        %get3A_344 = arith.index_cast %mul3A_341 : i32 to index
        %get3A_345 = tpu.vector_load %arg6[%get3A_342, %get3A_343, %get3A_344] {strides = array<i32>} : memref<4x128x128xf32, #tpu.memory_space<vmem>>, vector<1x1x16xf32>,
        %get3A_346 = vector.shape_cast %get3A_345 : vector<1x1x16xf32> to vector<16xf32>
        %mul3A_347 = arith.constant 8.000000e+00 : f32
        %mul3A_348 = vector.broadcast %mul3A_347 : f32 to vector<16xf32>
        %mul3A_349 = arith.mulf %get3A_346, %mul3A_348 : vector<16xf32>
        %mul3A_350 = arith.constant 16 : i32
        %mul3A_351 = arith.muli %select_n3A_339, %mul3A_350 : i32
        %swap3A_352 = arith.index_cast %rem3A_73 : i32 to index
        %swap3A_353 = arith.index_cast %select_n3A_323 : i32 to index
        %swap3A_354 = arith.index_cast %mul3A_351 : i32 to index
        %swap3A_355 = tpu.vector_load %arg6[%swap3A_352, %swap3A_353, %swap3A_354] {strides = array<i32>} : memref<4x128x128xf32, #tpu.memory_space<vmem>>, vector<1x1x16xf32>,
        %swap3A_356 = vector.shape_cast %swap3A_355 : vector<1x1x16xf32> to vector<16xf32>
        %swap3A_357 = vector.shape_cast %mul3A_349 : vector<16xf32> to vector<1x1x16xf32>
        tpu.vector_store %arg6[%swap3A_352, %swap3A_353, %swap3A_354], %swap3A_357 {strides = array<i32>} : memref<4x128x128xf32, #tpu.memory_space<vmem>>, vector<1x1x16xf32>,
        %mul3A_358 = arith.constant 8 : i32
        %mul3A_359 = arith.muli %scan3A_119, %mul3A_358 : i32
        %add3A_360 = arith.constant 4 : i32
        %add3A_361 = arith.addi %mul3A_359, %add3A_360 : i32
        %jit3A_362 = arith.constant 4 : i32
        %div3A_363 = arith.divsi %add3A_361, %jit3A_362 : i32
        %sign3A_364 = arith.constant 0 : i32
        %sign3A_365 = arith.cmpi sgt, %add3A_361, %sign3A_364 : i32
        %sign3A_366 = arith.extui %sign3A_365 : i1 to i32
        %sign3A_367 = arith.constant 0 : i32
        %sign3A_368 = arith.cmpi slt, %add3A_361, %sign3A_367 : i32
        %sign3A_369 = arith.extui %sign3A_368 : i1 to i32
        %sign3A_370 = arith.subi %sign3A_366, %sign3A_369 : i32
        %sign3A_371 = arith.constant 0 : i32
        %sign3A_372 = arith.cmpi sgt, %jit3A_362, %sign3A_371 : i32
        %sign3A_373 = arith.extui %sign3A_372 : i1 to i32
        %sign3A_374 = arith.constant 0 : i32
        %sign3A_375 = arith.cmpi slt, %jit3A_362, %sign3A_374 : i32
        %sign3A_376 = arith.extui %sign3A_375 : i1 to i32
        %sign3A_377 = arith.subi %sign3A_373, %sign3A_376 : i32
        %ne3A_378 = arith.cmpi ne, %sign3A_370, %sign3A_377 : i32
        %rem3A_379 = arith.remsi %add3A_361, %jit3A_362 : i32
        %ne3A_380 = arith.constant 0 : i32
        %ne3A_381 = arith.cmpi ne, %rem3A_379, %ne3A_380 : i32
        %and3A_382 = arith.andi %ne3A_378, %ne3A_381 : i1
        %sub3A_383 = arith.constant 1 : i32
        %sub3A_384 = arith.subi %div3A_363, %sub3A_383 : i32
        %select_n3A_385 = arith.select %and3A_382, %sub3A_384, %div3A_363 : i32
        %jit3A_386 = arith.constant 4 : i32
        %eq3A_387 = arith.constant 0 : i32
        %eq3A_388 = arith.cmpi eq, %jit3A_386, %eq3A_387 : i32
        %jit3A_389 = arith.constant 1 : i32
        %select_n3A_390 = arith.select %eq3A_388, %jit3A_389, %jit3A_386 : i32
        %rem3A_391 = arith.remsi %add3A_361, %select_n3A_390 : i32
        %ne3A_392 = arith.constant 0 : i32
        %ne3A_393 = arith.cmpi ne, %rem3A_391, %ne3A_392 : i32
        %lt3A_394 = arith.constant 0 : i32
        %lt3A_395 = arith.cmpi slt, %rem3A_391, %lt3A_394 : i32
        %lt3A_396 = arith.constant 0 : i32
        %lt3A_397 = arith.cmpi slt, %select_n3A_390, %lt3A_396 : i32
        %ne3A_398 = arith.xori %lt3A_395, %lt3A_397 : i1
        %and3A_399 = arith.andi %ne3A_398, %ne3A_393 : i1
        %add3A_400 = arith.addi %rem3A_391, %select_n3A_390 : i32
        %select_n3A_401 = arith.select %and3A_399, %add3A_400, %rem3A_391 : i32
        %mul3A_402 = arith.constant 16 : i32
        %mul3A_403 = arith.muli %select_n3A_401, %mul3A_402 : i32
        %get3A_404 = arith.index_cast %rem3A_73 : i32 to index
        %get3A_405 = arith.index_cast %select_n3A_385 : i32 to index
        %get3A_406 = arith.index_cast %mul3A_403 : i32 to index
        %get3A_407 = tpu.vector_load %arg6[%get3A_404, %get3A_405, %get3A_406] {strides = array<i32>} : memref<4x128x128xf32, #tpu.memory_space<vmem>>, vector<1x1x16xf32>,
        %get3A_408 = vector.shape_cast %get3A_407 : vector<1x1x16xf32> to vector<16xf32>
        %mul3A_409 = arith.constant 8.000000e+00 : f32
        %mul3A_410 = vector.broadcast %mul3A_409 : f32 to vector<16xf32>
        %mul3A_411 = arith.mulf %get3A_408, %mul3A_410 : vector<16xf32>
        %mul3A_412 = arith.constant 16 : i32
        %mul3A_413 = arith.muli %select_n3A_401, %mul3A_412 : i32
        %swap3A_414 = arith.index_cast %rem3A_73 : i32 to index
        %swap3A_415 = arith.index_cast %select_n3A_385 : i32 to index
        %swap3A_416 = arith.index_cast %mul3A_413 : i32 to index
        %swap3A_417 = tpu.vector_load %arg6[%swap3A_414, %swap3A_415, %swap3A_416] {strides = array<i32>} : memref<4x128x128xf32, #tpu.memory_space<vmem>>, vector<1x1x16xf32>,
        %swap3A_418 = vector.shape_cast %swap3A_417 : vector<1x1x16xf32> to vector<16xf32>
        %swap3A_419 = vector.shape_cast %mul3A_411 : vector<16xf32> to vector<1x1x16xf32>
        tpu.vector_store %arg6[%swap3A_414, %swap3A_415, %swap3A_416], %swap3A_419 {strides = array<i32>} : memref<4x128x128xf32, #tpu.memory_space<vmem>>, vector<1x1x16xf32>,
        %mul3A_420 = arith.constant 8 : i32
        %mul3A_421 = arith.muli %scan3A_119, %mul3A_420 : i32
        %add3A_422 = arith.constant 5 : i32
        %add3A_423 = arith.addi %mul3A_421, %add3A_422 : i32
        %jit3A_424 = arith.constant 4 : i32
        %div3A_425 = arith.divsi %add3A_423, %jit3A_424 : i32
        %sign3A_426 = arith.constant 0 : i32
        %sign3A_427 = arith.cmpi sgt, %add3A_423, %sign3A_426 : i32
        %sign3A_428 = arith.extui %sign3A_427 : i1 to i32
        %sign3A_429 = arith.constant 0 : i32
        %sign3A_430 = arith.cmpi slt, %add3A_423, %sign3A_429 : i32
        %sign3A_431 = arith.extui %sign3A_430 : i1 to i32
        %sign3A_432 = arith.subi %sign3A_428, %sign3A_431 : i32
        %sign3A_433 = arith.constant 0 : i32
        %sign3A_434 = arith.cmpi sgt, %jit3A_424, %sign3A_433 : i32
        %sign3A_435 = arith.extui %sign3A_434 : i1 to i32
        %sign3A_436 = arith.constant 0 : i32
        %sign3A_437 = arith.cmpi slt, %jit3A_424, %sign3A_436 : i32
        %sign3A_438 = arith.extui %sign3A_437 : i1 to i32
        %sign3A_439 = arith.subi %sign3A_435, %sign3A_438 : i32
        %ne3A_440 = arith.cmpi ne, %sign3A_432, %sign3A_439 : i32
        %rem3A_441 = arith.remsi %add3A_423, %jit3A_424 : i32
        %ne3A_442 = arith.constant 0 : i32
        %ne3A_443 = arith.cmpi ne, %rem3A_441, %ne3A_442 : i32
        %and3A_444 = arith.andi %ne3A_440, %ne3A_443 : i1
        %sub3A_445 = arith.constant 1 : i32
        %sub3A_446 = arith.subi %div3A_425, %sub3A_445 : i32
        %select_n3A_447 = arith.select %and3A_444, %sub3A_446, %div3A_425 : i32
        %jit3A_448 = arith.constant 4 : i32
        %eq3A_449 = arith.constant 0 : i32
        %eq3A_450 = arith.cmpi eq, %jit3A_448, %eq3A_449 : i32
        %jit3A_451 = arith.constant 1 : i32
        %select_n3A_452 = arith.select %eq3A_450, %jit3A_451, %jit3A_448 : i32
        %rem3A_453 = arith.remsi %add3A_423, %select_n3A_452 : i32
        %ne3A_454 = arith.constant 0 : i32
        %ne3A_455 = arith.cmpi ne, %rem3A_453, %ne3A_454 : i32
        %lt3A_456 = arith.constant 0 : i32
        %lt3A_457 = arith.cmpi slt, %rem3A_453, %lt3A_456 : i32
        %lt3A_458 = arith.constant 0 : i32
        %lt3A_459 = arith.cmpi slt, %select_n3A_452, %lt3A_458 : i32
        %ne3A_460 = arith.xori %lt3A_457, %lt3A_459 : i1
        %and3A_461 = arith.andi %ne3A_460, %ne3A_455 : i1
        %add3A_462 = arith.addi %rem3A_453, %select_n3A_452 : i32
        %select_n3A_463 = arith.select %and3A_461, %add3A_462, %rem3A_453 : i32
        %mul3A_464 = arith.constant 16 : i32
        %mul3A_465 = arith.muli %select_n3A_463, %mul3A_464 : i32
        %get3A_466 = arith.index_cast %rem3A_73 : i32 to index
        %get3A_467 = arith.index_cast %select_n3A_447 : i32 to index
        %get3A_468 = arith.index_cast %mul3A_465 : i32 to index
        %get3A_469 = tpu.vector_load %arg6[%get3A_466, %get3A_467, %get3A_468] {strides = array<i32>} : memref<4x128x128xf32, #tpu.memory_space<vmem>>, vector<1x1x16xf32>,
        %get3A_470 = vector.shape_cast %get3A_469 : vector<1x1x16xf32> to vector<16xf32>
        %mul3A_471 = arith.constant 8.000000e+00 : f32
        %mul3A_472 = vector.broadcast %mul3A_471 : f32 to vector<16xf32>
        %mul3A_473 = arith.mulf %get3A_470, %mul3A_472 : vector<16xf32>
        %mul3A_474 = arith.constant 16 : i32
        %mul3A_475 = arith.muli %select_n3A_463, %mul3A_474 : i32
        %swap3A_476 = arith.index_cast %rem3A_73 : i32 to index
        %swap3A_477 = arith.index_cast %select_n3A_447 : i32 to index
        %swap3A_478 = arith.index_cast %mul3A_475 : i32 to index
        %swap3A_479 = tpu.vector_load %arg6[%swap3A_476, %swap3A_477, %swap3A_478] {strides = array<i32>} : memref<4x128x128xf32, #tpu.memory_space<vmem>>, vector<1x1x16xf32>,
        %swap3A_480 = vector.shape_cast %swap3A_479 : vector<1x1x16xf32> to vector<16xf32>
        %swap3A_481 = vector.shape_cast %mul3A_473 : vector<16xf32> to vector<1x1x16xf32>
        tpu.vector_store %arg6[%swap3A_476, %swap3A_477, %swap3A_478], %swap3A_481 {strides = array<i32>} : memref<4x128x128xf32, #tpu.memory_space<vmem>>, vector<1x1x16xf32>,
        %mul3A_482 = arith.constant 8 : i32
        %mul3A_483 = arith.muli %scan3A_119, %mul3A_482 : i32
        %add3A_484 = arith.constant 6 : i32
        %add3A_485 = arith.addi %mul3A_483, %add3A_484 : i32
        %jit3A_486 = arith.constant 4 : i32
        %div3A_487 = arith.divsi %add3A_485, %jit3A_486 : i32
        %sign3A_488 = arith.constant 0 : i32
        %sign3A_489 = arith.cmpi sgt, %add3A_485, %sign3A_488 : i32
        %sign3A_490 = arith.extui %sign3A_489 : i1 to i32
        %sign3A_491 = arith.constant 0 : i32
        %sign3A_492 = arith.cmpi slt, %add3A_485, %sign3A_491 : i32
        %sign3A_493 = arith.extui %sign3A_492 : i1 to i32
        %sign3A_494 = arith.subi %sign3A_490, %sign3A_493 : i32
        %sign3A_495 = arith.constant 0 : i32
        %sign3A_496 = arith.cmpi sgt, %jit3A_486, %sign3A_495 : i32
        %sign3A_497 = arith.extui %sign3A_496 : i1 to i32
        %sign3A_498 = arith.constant 0 : i32
        %sign3A_499 = arith.cmpi slt, %jit3A_486, %sign3A_498 : i32
        %sign3A_500 = arith.extui %sign3A_499 : i1 to i32
        %sign3A_501 = arith.subi %sign3A_497, %sign3A_500 : i32
        %ne3A_502 = arith.cmpi ne, %sign3A_494, %sign3A_501 : i32
        %rem3A_503 = arith.remsi %add3A_485, %jit3A_486 : i32
        %ne3A_504 = arith.constant 0 : i32
        %ne3A_505 = arith.cmpi ne, %rem3A_503, %ne3A_504 : i32
        %and3A_506 = arith.andi %ne3A_502, %ne3A_505 : i1
        %sub3A_507 = arith.constant 1 : i32
        %sub3A_508 = arith.subi %div3A_487, %sub3A_507 : i32
        %select_n3A_509 = arith.select %and3A_506, %sub3A_508, %div3A_487 : i32
        %jit3A_510 = arith.constant 4 : i32
        %eq3A_511 = arith.constant 0 : i32
        %eq3A_512 = arith.cmpi eq, %jit3A_510, %eq3A_511 : i32
        %jit3A_513 = arith.constant 1 : i32
        %select_n3A_514 = arith.select %eq3A_512, %jit3A_513, %jit3A_510 : i32
        %rem3A_515 = arith.remsi %add3A_485, %select_n3A_514 : i32
        %ne3A_516 = arith.constant 0 : i32
        %ne3A_517 = arith.cmpi ne, %rem3A_515, %ne3A_516 : i32
        %lt3A_518 = arith.constant 0 : i32
        %lt3A_519 = arith.cmpi slt, %rem3A_515, %lt3A_518 : i32
        %lt3A_520 = arith.constant 0 : i32
        %lt3A_521 = arith.cmpi slt, %select_n3A_514, %lt3A_520 : i32
        %ne3A_522 = arith.xori %lt3A_519, %lt3A_521 : i1
        %and3A_523 = arith.andi %ne3A_522, %ne3A_517 : i1
        %add3A_524 = arith.addi %rem3A_515, %select_n3A_514 : i32
        %select_n3A_525 = arith.select %and3A_523, %add3A_524, %rem3A_515 : i32
        %mul3A_526 = arith.constant 16 : i32
        %mul3A_527 = arith.muli %select_n3A_525, %mul3A_526 : i32
        %get3A_528 = arith.index_cast %rem3A_73 : i32 to index
        %get3A_529 = arith.index_cast %select_n3A_509 : i32 to index
        %get3A_530 = arith.index_cast %mul3A_527 : i32 to index
        %get3A_531 = tpu.vector_load %arg6[%get3A_528, %get3A_529, %get3A_530] {strides = array<i32>} : memref<4x128x128xf32, #tpu.memory_space<vmem>>, vector<1x1x16xf32>,
        %get3A_532 = vector.shape_cast %get3A_531 : vector<1x1x16xf32> to vector<16xf32>
        %mul3A_533 = arith.constant 8.000000e+00 : f32
        %mul3A_534 = vector.broadcast %mul3A_533 : f32 to vector<16xf32>
        %mul3A_535 = arith.mulf %get3A_532, %mul3A_534 : vector<16xf32>
        %mul3A_536 = arith.constant 16 : i32
        %mul3A_537 = arith.muli %select_n3A_525, %mul3A_536 : i32
        %swap3A_538 = arith.index_cast %rem3A_73 : i32 to index
        %swap3A_539 = arith.index_cast %select_n3A_509 : i32 to index
        %swap3A_540 = arith.index_cast %mul3A_537 : i32 to index
        %swap3A_541 = tpu.vector_load %arg6[%swap3A_538, %swap3A_539, %swap3A_540] {strides = array<i32>} : memref<4x128x128xf32, #tpu.memory_space<vmem>>, vector<1x1x16xf32>,
        %swap3A_542 = vector.shape_cast %swap3A_541 : vector<1x1x16xf32> to vector<16xf32>
        %swap3A_543 = vector.shape_cast %mul3A_535 : vector<16xf32> to vector<1x1x16xf32>
        tpu.vector_store %arg6[%swap3A_538, %swap3A_539, %swap3A_540], %swap3A_543 {strides = array<i32>} : memref<4x128x128xf32, #tpu.memory_space<vmem>>, vector<1x1x16xf32>,
        %mul3A_544 = arith.constant 8 : i32
        %mul3A_545 = arith.muli %scan3A_119, %mul3A_544 : i32
        %add3A_546 = arith.constant 7 : i32
        %add3A_547 = arith.addi %mul3A_545, %add3A_546 : i32
        %jit3A_548 = arith.constant 4 : i32
        %div3A_549 = arith.divsi %add3A_547, %jit3A_548 : i32
        %sign3A_550 = arith.constant 0 : i32
        %sign3A_551 = arith.cmpi sgt, %add3A_547, %sign3A_550 : i32
        %sign3A_552 = arith.extui %sign3A_551 : i1 to i32
        %sign3A_553 = arith.constant 0 : i32
        %sign3A_554 = arith.cmpi slt, %add3A_547, %sign3A_553 : i32
        %sign3A_555 = arith.extui %sign3A_554 : i1 to i32
        %sign3A_556 = arith.subi %sign3A_552, %sign3A_555 : i32
        %sign3A_557 = arith.constant 0 : i32
        %sign3A_558 = arith.cmpi sgt, %jit3A_548, %sign3A_557 : i32
        %sign3A_559 = arith.extui %sign3A_558 : i1 to i32
        %sign3A_560 = arith.constant 0 : i32
        %sign3A_561 = arith.cmpi slt, %jit3A_548, %sign3A_560 : i32
        %sign3A_562 = arith.extui %sign3A_561 : i1 to i32
        %sign3A_563 = arith.subi %sign3A_559, %sign3A_562 : i32
        %ne3A_564 = arith.cmpi ne, %sign3A_556, %sign3A_563 : i32
        %rem3A_565 = arith.remsi %add3A_547, %jit3A_548 : i32
        %ne3A_566 = arith.constant 0 : i32
        %ne3A_567 = arith.cmpi ne, %rem3A_565, %ne3A_566 : i32
        %and3A_568 = arith.andi %ne3A_564, %ne3A_567 : i1
        %sub3A_569 = arith.constant 1 : i32
        %sub3A_570 = arith.subi %div3A_549, %sub3A_569 : i32
        %select_n3A_571 = arith.select %and3A_568, %sub3A_570, %div3A_549 : i32
        %jit3A_572 = arith.constant 4 : i32
        %eq3A_573 = arith.constant 0 : i32
        %eq3A_574 = arith.cmpi eq, %jit3A_572, %eq3A_573 : i32
        %jit3A_575 = arith.constant 1 : i32
        %select_n3A_576 = arith.select %eq3A_574, %jit3A_575, %jit3A_572 : i32
        %rem3A_577 = arith.remsi %add3A_547, %select_n3A_576 : i32
        %ne3A_578 = arith.constant 0 : i32
        %ne3A_579 = arith.cmpi ne, %rem3A_577, %ne3A_578 : i32
        %lt3A_580 = arith.constant 0 : i32
        %lt3A_581 = arith.cmpi slt, %rem3A_577, %lt3A_580 : i32
        %lt3A_582 = arith.constant 0 : i32
        %lt3A_583 = arith.cmpi slt, %select_n3A_576, %lt3A_582 : i32
        %ne3A_584 = arith.xori %lt3A_581, %lt3A_583 : i1
        %and3A_585 = arith.andi %ne3A_584, %ne3A_579 : i1
        %add3A_586 = arith.addi %rem3A_577, %select_n3A_576 : i32
        %select_n3A_587 = arith.select %and3A_585, %add3A_586, %rem3A_577 : i32
        %mul3A_588 = arith.constant 16 : i32
        %mul3A_589 = arith.muli %select_n3A_587, %mul3A_588 : i32
        %get3A_590 = arith.index_cast %rem3A_73 : i32 to index
        %get3A_591 = arith.index_cast %select_n3A_571 : i32 to index
        %get3A_592 = arith.index_cast %mul3A_589 : i32 to index
        %get3A_593 = tpu.vector_load %arg6[%get3A_590, %get3A_591, %get3A_592] {strides = array<i32>} : memref<4x128x128xf32, #tpu.memory_space<vmem>>, vector<1x1x16xf32>,
        %get3A_594 = vector.shape_cast %get3A_593 : vector<1x1x16xf32> to vector<16xf32>
        %mul3A_595 = arith.constant 8.000000e+00 : f32
        %mul3A_596 = vector.broadcast %mul3A_595 : f32 to vector<16xf32>
        %mul3A_597 = arith.mulf %get3A_594, %mul3A_596 : vector<16xf32>
        %mul3A_598 = arith.constant 16 : i32
        %mul3A_599 = arith.muli %select_n3A_587, %mul3A_598 : i32
        %swap3A_600 = arith.index_cast %rem3A_73 : i32 to index
        %swap3A_601 = arith.index_cast %select_n3A_571 : i32 to index
        %swap3A_602 = arith.index_cast %mul3A_599 : i32 to index
        %swap3A_603 = tpu.vector_load %arg6[%swap3A_600, %swap3A_601, %swap3A_602] {strides = array<i32>} : memref<4x128x128xf32, #tpu.memory_space<vmem>>, vector<1x1x16xf32>,
        %swap3A_604 = vector.shape_cast %swap3A_603 : vector<1x1x16xf32> to vector<16xf32>
        %swap3A_605 = vector.shape_cast %mul3A_597 : vector<16xf32> to vector<1x1x16xf32>
        tpu.vector_store %arg6[%swap3A_600, %swap3A_601, %swap3A_602], %swap3A_605 {strides = array<i32>} : memref<4x128x128xf32, #tpu.memory_space<vmem>>, vector<1x1x16xf32>,
      }
      %scan3A_101 = arith.constant 64 : i32
      %add3A_102 = arith.addi %mul3A_2, %scan3A_72 : i32
      %mul3A_103 = arith.constant 128 : i32
      %mul3A_104 = arith.muli %add3A_102, %mul3A_103 : i32
      %dma_start3A_105 = arith.constant 0 : i32
      %dma_start3A_106 = arith.constant 0 : i32
      %dma_start3A_107 = tpu.memref_slice %arg6[%rem3A_73, %dma_start3A_105, %dma_start3A_106] : memref<4x128x128xf32, #tpu.memory_space<vmem>> -> memref<1x128x128xf32, #tpu.memory_space<vmem>>
      %dma_start3A_108 = tpu.memref_squeeze %dma_start3A_107 : memref<1x128x128xf32, #tpu.memory_space<vmem>> -> memref<128x128xf32, #tpu.memory_space<vmem>>
      %dma_start3A_109 = arith.constant 0 : i32
      %dma_start3A_110 = tpu.memref_slice %arg4[%mul3A_104, %dma_start3A_109] : memref<819200x128xf32, #tpu.memory_space<hbm>> -> memref<128x128xf32, #tpu.memory_space<hbm>>
      %dma_start3A_111 = tpu.memref_slice %arg8[%rem3A_73] : memref<4x!tpu.dma_semaphore, #tpu.memory_space<semaphore_mem>> -> memref<1x!tpu.dma_semaphore, #tpu.memory_space<semaphore_mem>>
      %dma_start3A_112 = tpu.memref_squeeze %dma_start3A_111 : memref<1x!tpu.dma_semaphore, #tpu.memory_space<semaphore_mem>> -> memref<!tpu.dma_semaphore, #tpu.memory_space<semaphore_mem>>
      %dma_start3A_113 = arith.constant 0 : i32
      %dma_start3A_114 = tpu.memref_slice %arg4[%mul3A_104, %dma_start3A_113] : memref<819200x128xf32, #tpu.memory_space<hbm>> -> memref<128x128xf32, #tpu.memory_space<hbm>>
      %dma_start3A_115 = arith.constant 0 : i32
      %dma_start3A_116 = arith.constant 0 : i32
      %dma_start3A_117 = tpu.memref_slice %arg6[%rem3A_73, %dma_start3A_115, %dma_start3A_116] : memref<4x128x128xf32, #tpu.memory_space<vmem>> -> memref<1x128x128xf32, #tpu.memory_space<vmem>>
      %dma_start3A_118 = tpu.memref_squeeze %dma_start3A_117 : memref<1x128x128xf32, #tpu.memory_space<vmem>> -> memref<128x128xf32, #tpu.memory_space<vmem>>
      tpu.enqueue_dma source(%dma_start3A_118 : memref<128x128xf32, #tpu.memory_space<vmem>>) target(%dma_start3A_114 : memref<128x128xf32, #tpu.memory_space<hbm>>) target_semaphore(%dma_start3A_112 : memref<!tpu.dma_semaphore, #tpu.memory_space<semaphore_mem>>)
    }
    %scan3A_36 = arith.constant 200 : i32
    %dma_wait3A = arith.constant 2 : i32
    %dma_wait3A_37 = arith.constant 2 : i32
    %dma_wait3A_38 = arith.constant 0 : i32
    %dma_wait3A_39 = arith.constant 0 : i32
    %dma_wait3A_40 = tpu.memref_slice %arg6[%dma_wait3A, %dma_wait3A_38, %dma_wait3A_39] : memref<4x128x128xf32, #tpu.memory_space<vmem>> -> memref<1x128x128xf32, #tpu.memory_space<vmem>>
    %dma_wait3A_41 = tpu.memref_squeeze %dma_wait3A_40 : memref<1x128x128xf32, #tpu.memory_space<vmem>> -> memref<128x128xf32, #tpu.memory_space<vmem>>
    %dma_wait3A_42 = arith.constant 0 : i32
    %dma_wait3A_43 = arith.constant 0 : i32
    %dma_wait3A_44 = tpu.memref_slice %arg4[%dma_wait3A_42, %dma_wait3A_43] : memref<819200x128xf32, #tpu.memory_space<hbm>> -> memref<128x128xf32, #tpu.memory_space<hbm>>
    %dma_wait3A_45 = tpu.memref_slice %arg8[%dma_wait3A_37] : memref<4x!tpu.dma_semaphore, #tpu.memory_space<semaphore_mem>> -> memref<1x!tpu.dma_semaphore, #tpu.memory_space<semaphore_mem>>
    %dma_wait3A_46 = tpu.memref_squeeze %dma_wait3A_45 : memref<1x!tpu.dma_semaphore, #tpu.memory_space<semaphore_mem>> -> memref<!tpu.dma_semaphore, #tpu.memory_space<semaphore_mem>>
    %dma_wait3A_47 = arith.constant 0 : i32
    %dma_wait3A_48 = arith.constant 0 : i32
    %dma_wait3A_49 = tpu.memref_slice %arg4[%dma_wait3A_47, %dma_wait3A_48] : memref<819200x128xf32, #tpu.memory_space<hbm>> -> memref<128x128xf32, #tpu.memory_space<hbm>>
    %dma_wait3A_50 = arith.constant 0 : i32
    %dma_wait3A_51 = arith.constant 0 : i32
    %dma_wait3A_52 = tpu.memref_slice %arg6[%dma_wait3A, %dma_wait3A_50, %dma_wait3A_51] : memref<4x128x128xf32, #tpu.memory_space<vmem>> -> memref<1x128x128xf32, #tpu.memory_space<vmem>>
    %dma_wait3A_53 = tpu.memref_squeeze %dma_wait3A_52 : memref<1x128x128xf32, #tpu.memory_space<vmem>> -> memref<128x128xf32, #tpu.memory_space<vmem>>
    tpu.wait_dma2 semaphore(%dma_wait3A_46 : memref<!tpu.dma_semaphore, #tpu.memory_space<semaphore_mem>>) src(%dma_wait3A_53 : memref<128x128xf32, #tpu.memory_space<vmem>>) dst(%dma_wait3A_49 : memref<128x128xf32, #tpu.memory_space<hbm>>)
    %dma_wait3A_54 = arith.constant 3 : i32
    %dma_wait3A_55 = arith.constant 3 : i32
    %dma_wait3A_56 = arith.constant 0 : i32
    %dma_wait3A_57 = arith.constant 0 : i32
    %dma_wait3A_58 = tpu.memref_slice %arg6[%dma_wait3A_54, %dma_wait3A_56, %dma_wait3A_57] : memref<4x128x128xf32, #tpu.memory_space<vmem>> -> memref<1x128x128xf32, #tpu.memory_space<vmem>>
    %dma_wait3A_59 = tpu.memref_squeeze %dma_wait3A_58 : memref<1x128x128xf32, #tpu.memory_space<vmem>> -> memref<128x128xf32, #tpu.memory_space<vmem>>
    %dma_wait3A_60 = arith.constant 0 : i32
    %dma_wait3A_61 = arith.constant 0 : i32
    %dma_wait3A_62 = tpu.memref_slice %arg4[%dma_wait3A_60, %dma_wait3A_61] : memref<819200x128xf32, #tpu.memory_space<hbm>> -> memref<128x128xf32, #tpu.memory_space<hbm>>
    %dma_wait3A_63 = tpu.memref_slice %arg8[%dma_wait3A_55] : memref<4x!tpu.dma_semaphore, #tpu.memory_space<semaphore_mem>> -> memref<1x!tpu.dma_semaphore, #tpu.memory_space<semaphore_mem>>
    %dma_wait3A_64 = tpu.memref_squeeze %dma_wait3A_63 : memref<1x!tpu.dma_semaphore, #tpu.memory_space<semaphore_mem>> -> memref<!tpu.dma_semaphore, #tpu.memory_space<semaphore_mem>>
    %dma_wait3A_65 = arith.constant 0 : i32
    %dma_wait3A_66 = arith.constant 0 : i32
    %dma_wait3A_67 = tpu.memref_slice %arg4[%dma_wait3A_65, %dma_wait3A_66] : memref<819200x128xf32, #tpu.memory_space<hbm>> -> memref<128x128xf32, #tpu.memory_space<hbm>>
    %dma_wait3A_68 = arith.constant 0 : i32
    %dma_wait3A_69 = arith.constant 0 : i32
    %dma_wait3A_70 = tpu.memref_slice %arg6[%dma_wait3A_54, %dma_wait3A_68, %dma_wait3A_69] : memref<4x128x128xf32, #tpu.memory_space<vmem>> -> memref<1x128x128xf32, #tpu.memory_space<vmem>>
    %dma_wait3A_71 = tpu.memref_squeeze %dma_wait3A_70 : memref<1x128x128xf32, #tpu.memory_space<vmem>> -> memref<128x128xf32, #tpu.memory_space<vmem>>
    tpu.wait_dma2 semaphore(%dma_wait3A_64 : memref<!tpu.dma_semaphore, #tpu.memory_space<semaphore_mem>>) src(%dma_wait3A_71 : memref<128x128xf32, #tpu.memory_space<vmem>>) dst(%dma_wait3A_67 : memref<128x128xf32, #tpu.memory_space<hbm>>)
    return
  }
}

</mosaic_0001>

<sc_bundles>
// kernel: kernel.3.cloned.1.call-start
scs
__scs_entry_jumppad:
0x0: {  	(pc) =	sbr.rel $0x88, $3  }
0x1: {  	(tag) =	ssettag $0x0;
	lr =	simm.s32 $0x1  }
0x2: {  	[smem:$0x3F9F] =	sst lr;
	_ =	strace $0xD0000000  }
0x3: {  	_ = 	snop  }
0x4: {  	_ = 	snop  }
0x5: {  	_ = 	snop  }
0x6: {  	_ = 	snop  }
0x7: {  	_ = 	snop  }
__scs_overlays_trampoline_lowered:
0x8: {  	[smem:$0x3FAE] =	sst s0  }
0x9: {  	[smem:$0x3FAF] =	sst s1  }
0xa: {  	[smem:$0x3FB0] =	sst s2  }
0xb: {  	[smem:$0x3FB1] =	sst s3  }
0xc: {  	[smem:$0x3FB2] =	sst s4  }
0xd: {  	[smem:$0x3FB3] =	sst s5  }
0xe: {  	[smem:$0x3FB4] =	sst s6  }
0xf: {  	[smem:$0x3FB5] =	sst s7  }
0x10: {  	[smem:$0x3FB6] =	sst s8  }
0x11: {  	[smem:$0x3FB7] =	sst s9;
	s0 =	simm.s32 @!p0 $0x0  }
0x12: {  	s1 =	sld [smem:$0x3F9D];
	s0 =	simm.s32 @p0 $0x1  }
0x13: {  	[smem:$0x3FB8] =	sst s0;
	s0 =	simm.s32 @!p1 $0x0  }
0x14: {  	s2 =	sld [smem:$0x3F9C];
	s0 =	simm.s32 @p1 $0x1  }
0x15: {  	[smem:$0x3FB9] =	sst s0;
	s0 =	simm.s32 @!p2 $0x0  }
0x16: {  	s3 =	sld [smem:$0x3FDB];
	s0 =	simm.s32 @p2 $0x1  }
0x17: {  	s4 =	simm.s32 $0x1BF5;
	[smem:$0x3FBB] =	sst s0  }
0x18: {  	s0 =	sld [smem:$0x3F9E];
	_ =	swait.ge [sflag:s4], $0x0  }
0x19: {  	s7 =	sld [smem:$0x3F9F]  }
0x1a: {  	s8 =	sadd.s32 $0xFFFFE003, lr  }
0x1b: {  	s9 =	sadd.s32 $0xFFFFFEF7, lr;
	s5 =	simm.s32 $0xFFFFFFFF;
	p2 =	slt.u32 s8, $0xFFFFF086  }
0x1c: {  	p1 =	slt.u32 s9, $0xF7A;
	s5 =	simm.s32 @!p2 $0x0  }
0x1d: {  	s5 =	simm.s32 @p1 $0x1;
	p0 =	seq.s32 s7, s2  }
0x1e: {  	s7 =	smul.u32 @!p0 $0xF7A, s2;
	p2 =	seq.s32 @!p0 s5, $0x0  }
0x1f: {  	s9 =	smul.u32 $0xF7A, s1;
	s8 =	simm.s32 @!p0 $0x1BF5;
	p2 =	por !p2, p0  }
0x20: {  	[sflag:s8] =	ssyncset.s32 @!p0 $0xFFFFF086;
	s6 =	sadd.s32 @!p0 s3, s7;
	s7 =	simm.s32 @!p0 $0x108  }
0x21: {  	s3 =	sadd.s32 s3, s9;
	s6 =	sadd.s32 @!p0 $0x88, s6;
	s7 =	simm.s32 @p2 $0x1082  }
0x22: {  	[simem:s7], [sflag:s8] =	dma.local @!p0 [hbm:s6], $0xF7A  }
0x23: {  	s9 =	sor.u32 $0xD0000000, s2;
	s6 =	simm.s32 $0x108;
	_ =	swait.ge @!p0 [sflag:s8], $0x0  }
0x24: {  	s3 =	sadd.s32 $0x88, s3;
	s6 =	simm.s32 @!p1 $0x1082;
	[sflag:s4] =	ssyncset.s32 $0xFFFFF086  }
0x25: {  	[simem:s6], [sflag:s4] =	dma.local [hbm:s3], $0xF7A  }
0x26: {  	[smem:$0x3F9F] =	sst s1;
	(tag) =	ssettag s2;
	_ =	strace s9  }
0x27: {  	s1 =	sld [smem:$0x3FAF]  }
0x28: {  	s2 =	sld [smem:$0x3FB0]  }
0x29: {  	s4 =	sld [smem:$0x3FB2]  }
0x2a: {  	p0 =	seq.s32 s5, $0x0;
	s5 =	sld [smem:$0x3FB3]  }
0x2b: {  	s6 =	sld [smem:$0x3FB4]  }
0x2c: {  	s7 =	sld [smem:$0x3FB5]  }
0x2d: {  	s3 =	simm.s32 $0x108;
	s8 =	sld [smem:$0x3FB6]  }
0x2e: {  	s3 =	simm.s32 @!p0 $0x1082;
	s9 =	sld [smem:$0x3FB7]  }
0x2f: {  	lr =	sadd.s32 s0, s3;
	s0 =	sld [smem:$0x3FAE]  }
0x30: {  	s3 =	sld [smem:$0x3FB1]  }
0x31: {  	[smem:$0x3FBA] =	sst s10  }
0x32: {  	s10 =	sld [smem:$0x3FB8];
	_ =	sdelay $0x3  }
0x33: {  	p0 =	seq.s32 s10, $0x1;
	s10 =	sld [smem:$0x3FBA];
	_ =	sdelay $0x3  }
0x34: {  	[smem:$0x3FBA] =	sst s10  }
0x35: {  	s10 =	sld [smem:$0x3FB9];
	_ =	sdelay $0x3  }
0x36: {  	p1 =	seq.s32 s10, $0x1;
	s10 =	sld [smem:$0x3FBA];
	_ =	sdelay $0x3  }
0x37: {  	[smem:$0x3FBA] =	sst s10  }
0x38: {  	s10 =	sld [smem:$0x3FBB]  }
0x39: {  	_ = 	snop;
	(pc) =	sbr.ind lr, $3  }
0x3a: {  	_ = 	snop  }
0x3b: {  	_ = 	snop  }
0x3c: {  	p2 =	seq.s32 s10, $0x1;
	s10 =	sld [smem:$0x3FBA]  }
0x3d: {  	_ =	shalt  }
0x3e: {  	_ =	shalt  }
0x3f: {  	_ =	shalt  }
0x40: {  	_ =	shalt  }
0x41: {  	_ =	shalt  }
0x42: {  	_ =	shalt  }
0x43: {  	_ =	shalt  }
0x44: {  	_ =	shalt  }
0x45: {  	_ =	shalt  }
0x46: {  	_ =	shalt  }
0x47: {  	_ =	shalt  }
0x48: {  	_ =	shalt  }
0x49: {  	_ =	shalt  }
0x4a: {  	_ =	shalt  }
0x4b: {  	_ =	shalt  }
0x4c: {  	_ =	shalt  }
0x4d: {  	_ =	shalt  }
0x4e: {  	_ =	shalt  }
0x4f: {  	_ =	shalt  }
0x50: {  	_ =	shalt  }
0x51: {  	_ =	shalt  }
0x52: {  	_ =	shalt  }
0x53: {  	_ =	shalt  }
0x54: {  	_ =	shalt  }
0x55: {  	_ =	shalt  }
0x56: {  	_ =	shalt  }
0x57: {  	_ =	shalt  }
0x58: {  	_ =	shalt  }
0x59: {  	_ =	shalt  }
0x5a: {  	_ =	shalt  }
0x5b: {  	_ =	shalt  }
0x5c: {  	_ =	shalt  }
0x5d: {  	_ =	shalt  }
0x5e: {  	_ =	shalt  }
0x5f: {  	_ =	shalt  }
0x60: {  	_ =	shalt  }
0x61: {  	_ =	shalt  }
0x62: {  	_ =	shalt  }
0x63: {  	_ =	shalt  }
0x64: {  	_ =	shalt  }
0x65: {  	_ =	shalt  }
0x66: {  	_ =	shalt  }
0x67: {  	_ =	shalt  }
0x68: {  	_ =	shalt  }
0x69: {  	_ =	shalt  }
0x6a: {  	_ =	shalt  }
0x6b: {  	_ =	shalt  }
0x6c: {  	_ =	shalt  }
0x6d: {  	_ =	shalt  }
0x6e: {  	_ =	shalt  }
0x6f: {  	_ =	shalt  }
0x70: {  	_ =	shalt  }
0x71: {  	_ =	shalt  }
0x72: {  	_ =	shalt  }
0x73: {  	_ =	shalt  }
0x74: {  	_ =	shalt  }
0x75: {  	_ =	shalt  }
0x76: {  	_ =	shalt  }
0x77: {  	_ =	shalt  }
0x78: {  	_ =	shalt  }
0x79: {  	_ =	shalt  }
0x7a: {  	_ =	shalt  }
0x7b: {  	_ =	shalt  }
0x7c: {  	_ =	shalt  }
0x7d: {  	_ =	shalt  }
0x7e: {  	_ =	shalt  }
0x7f: {  	_ =	shalt  }
0x80: {  	_ =	shalt  }
0x81: {  	_ =	shalt  }
0x82: {  	_ =	shalt  }
0x83: {  	_ =	shalt  }
0x84: {  	_ =	shalt  }
0x85: {  	_ =	shalt  }
0x86: {  	_ =	shalt  }
0x87: {  	_ =	shalt  }
.Lfunc_end0:
.L_simem_size_0:
called_computation.1_lowered:
.L_overlay_start_0:
0x88: {  	s2 =	sld [smem:$0x3FD9]  }
0x89: {  	s3 =	sld [smem:$0x3FFE];
	_ =	sdelay $0x1  }
0x8a: {  	s1 =	srdreg.scid  }
0x8b: {  	s0 =	sand.u32 $0x1, s1  }
0x8c: {  	s17 =	sshll.u32 s0, $0xA;
	s2 =	sadd.s32 s3, s2  }
0x8d: {  	s2 =	sadd.s32 s2, s17  }
0x8e: {  	[smem:$0x3FC6] =	sst s2  }
0x8f: {  	_ = 	snop  }
0x90: {  	s2 =	sld [smem:$0x3FD0];
	(tm) =	ssettm $0x1  }
0x91: {  	s18 =	sld [smem:$0x3FFB];
	_ =	sdelay $0x3  }
0x92: {  	_ =	strace s18  }
0x93: {  	s3 =	sld [smem:$0x3FFC];
	_ =	sdelay $0x3  }
0x94: {  	_ =	strace s3  }
0x95: {  	s3 =	sld [smem:$0x3FFD];
	_ =	sdelay $0x3  }
0x96: {  	_ =	strace s3  }
0x97: {  	_ =	strace $0x8FFFFFFF  }
0x98: {  	s19 =	sld [smem:$0x3FDB];
	_ =	sdelay $0x1  }
0x99: {  	s4 =	simm.s32 $_scs_section_size  }
0x9a: {  	s5 =	simm.s32 $_size__tile_overlayer_lowered;
	s6 =	simm.s32 $_tile_overlayer_lowered  }
0x9b: {  	s22 =	simm.s32 $0x1BFF;
	s21 =	sshll.u32 s6, $0x1;
	s3 =	sadd.s32 s4, s19  }
0x9c: {  	s7 =	simm.s32 $0x0;
	s20 =	sshll.u32 s5, $0x1;
	s5 =	sadd.s32 s21, s3  }
0x9d: {  	[timem:s7], [sflag:s22] =	dma.local [hbm:s5], s20  }
0x9e: {  	_ =	swait.ge [sflag:s22], s20  }
0x9f: {  	s4 =	ssub.s32 $0x0, s20;
	[sflag:s22] =	ssyncset.done $0x0  }
0xa0: {  	[sflag:s22] =	ssyncadd.s32 s4;
	_ =	sdelay $0x1  }
0xa1: {  	s23 =	simm.s32 $0x1B8B  }
0xa2: {  	_ =	swait.ge [sflag:s23], $0x1  }
0xa3: {  	[sflag:s23] =	ssyncset.done $0x0  }
0xa4: {  	s25 =	simm.s32 $0x1B8E;
	s24 =	sld [smem:$0x3FFE];
	[sflag:s23] =	ssyncadd.s32 $0xFFFFFFFF  }
0xa5: {  	s26 =	simm.s32 $execute0_lowered;
	[smem:$0x3FD2] =	sst s25  }
0xa6: {  	s5 =	sshll.u32 s26, $0x1;
	_ =	strace $0x80000046;
	[dreg:$0x1] =	wrdreg $0xFFFFFFFF  }
0xa7: {  	s28 =	simm.s32 $_size_execute0_lowered;
	s3 =	sadd.s32 s3, s5;
	[dreg:$0x0] =	wrdreg $0x0  }
0xa8: {  	s5 =	sshll.u32 s28, $0x1;
	[dreg:$0x2] =	wrdreg s3  }
0xa9: {  	[dreg:$0x3] =	wrdreg s5  }
0xaa: {  	[dreg:$0x4] =	wrdreg $0xC0  }
0xab: {  	_ =	task [dreg:s7], $0x5FFFF  }
0xac: {  	[dreg:$0x1] =	wrdreg $0xFFFFFFFF  }
0xad: {  	[dreg:$0x0] =	wrdreg $0x60  }
0xae: {  	[dreg:$0x2] =	wrdreg s2  }
0xaf: {  	[dreg:$0x3] =	wrdreg s24  }
0xb0: {  	[dreg:$0x4] =	wrdreg $0x9  }
0xb1: {  	_ =	task.clear_ibuf [dreg:s7], $0x5FFFF;
	_ =	strace $0x90000046  }
0xb2: {  	s29 =	simm.s32 $0x9;
	_ =	strace $0x80000048  }
0xb3: {  	_ =	swait.ge [sflag:s29], $0x1  }
0xb4: {  	[sflag:s29] =	ssyncadd.s32 $0xFFFFFFFF  }
0xb5: {  	_ =	strace $0x90000048  }
0xb6: {  	_ =	sfence  }
0xb7: {  	s30 =	sld [smem:$0x0];
	_ =	sdelay $0x2  }
0xb8: {  	s31 =	sshll.u32 s1, $0xD;
	s1 =	sshrl.u32 s1, $0x2  }
0xb9: {  	s3 =	sand.u32 $0x4000, s31;
	s1 =	sadd.s32 s1, s30  }
0xba: {  	s0 =	sor.u32 s3, s0;
	s1 =	sshll.u32 s1, $0x11  }
0xbb: {  	s0 =	sor.u32 s1, s0  }
0xbc: {  	s0 =	sadd.s32 $0x8F2B, s0  }
0xbd: {  	[sflag:s0] =	ssyncadd.remote.s32 $0x1  }
0xbe: {  	_ =	sfence.sel $0xFFFF  }
0xbf: {  	[dreg:$0x0] =	wrdreg $0xFFFFFFFF;
	(pc) =	sbr.abs _section_cstart, $3  }
0xc0: {  	[dreg:$0x1] =	wrdreg $0xFFFFFFFF  }
0xc1: {  	_ =	task.clear_ibuf [dreg:s7], $0x2FFFF;
	_ =	strace $0x9FFFFFFF  }
0xc2: {  	(tm) =	ssettm $0x7FFFFFFF  }
0xc3: {  	_ =	shalt  }
tec
execute0_lowered:
.L_overlay_start_1:
0x0: {  	(tag) =	ssettag $0x1  }
0x1: {  	s6 =	rddreg [dreg:$0x0]  }
0x2: {  	s4 =	rddreg [dreg:$0x1]  }
0x3: {  	s0 =	rddreg [dreg:$0x2]  }
0x4: {  	s2 =	simm.s32 $0x0;
	s3 =	srdreg.scid;
	s1 =	stileid.u32  }
0x5: {  	s10 =	simm.s32 $0x6400;
	s11 =	simm.s32 $0xA400;
	s12 =	simm.s32 $0x7  }
0x6: {  	s13 =	simm.s32 $0x8;
	s14 =	simm.s32 $0x0;
	[smem:$0x7FF] =	sst s2  }
0x7: {  	s3 =	sand.u32 $0x1, s3;
	s5 =	sshll.u32 s1, $0x1;
	_ =	strace $0x80000047  }
0x8: {  	s7 =	ssub.s32 $0x2, s3;
	s5 =	sor.u32 s3, s5;
	s3 =	sadd.s32 $0xF42E00, s4  }
0x9: {  	s4 =	sadd.s32 $0xA00, s4;
	s8 =	sshrl.u32 s7, $0x1;
	s9 =	smul.u32 $0xC80, s5  }
0xa: {  	s5 =	smul.u32 $0xC8, s5;
	s7 =	ssub.s32 s7, s8;
	s8 =	simm.s32 $0x9  }
0xb: {  	s6 =	sadd.s32 s6, s9;
	s7 =	smax.u32 s7, $0x1;
	s9 =	simm.s32 $0x80  }
.LBB2_1:
0xc: {  	[tilespmem:s2], [sflag:$0x9] =	stream.linear.gather [hbm4b:s6+s2], $0x6400, $0x38;
	[tilespmem:$0x16400] =	vst v63  }
0xd: {  	_ =	swait.ge [sflag:s8], $0x6400  }
0xe: {  	[sflag:s8] =	ssyncset.done $0x0  }
0xf: {  	[sflag:s8] =	ssyncadd.s32 $0xFFFF9C00  }
0x10: {  	[tilespmem:s10], [sflag:$0x1] =	stream.indirect.gather [hbm4b:s3+s9], $0x80, s2, s9, $0xb8;
	[tilespmem:$0x16400] =	vst v63  }
0x11: {  	s15 =	simm.s32 $0x0;
	s16 =	simm.s32 $0x0  }
0x12: {  	[tilespmem:s11], [sflag:$0x2] =	stream.indirect.gather [hbm4b:s3+s9], $0x80, s9, s9, $0xb8;
	[tilespmem:$0x16400] =	vst v63  }
.LBB2_2:
0x13: {  	s18 =	sadd.s32 $0x2, s16  }
0x14: {  	p0 =	slt.u32 s16, $0x2;
	s17 =	sand.u32 $0x3, s18  }
0x15: {  	s19 =	sadd.s32 @!p0 $0x5, s17  }
0x16: {  	p1 =	sgt.u32 @!p0 s16, $0xC5;
	_ =	swait.ge @!p0 [sflag:s19], $0x4000  }
0x17: {  	s28 =	sand.u32 $0x3, s15;
	p1 =	por p0, !p1;
	[sflag:s19] =	ssyncset.done @!p0 $0x0  }
0x18: {  	s18 =	sshll.u32 @p1 s18, $0x7;
	[sflag:s19] =	ssyncadd.s32 @!p0 $0xFFFFC000;
	s19 =	sshll.u32 @p1 s17, $0xE  }
0x19: {  	s18 =	sand.u32 @p1 $0x3FFFFF80, s18;
	s17 =	sadd.s32 @p1 $0x1, s17;
	s19 =	sadd.s32 @p1 $0x6400, s19  }
0x1a: {  	[tilespmem:s19], [sflag:s17] =	stream.indirect.gather @p1 [hbm4b:s3+s9], $0x80, s18, s9, $0xb8;
	[tilespmem:$0x16400] =	vst v63  }
0x1b: {  	s17 =	sshll.u32 s28, $0xE  }
0x1c: {  	s29 =	sadd.s32 $0x6480, s17  }
0x1d: {  	s17 =	sand.u32 $0x3, s16;
	v0 =	vmov s29  }
0x1e: {  	s30 =	sadd.s32 $0x1, s17  }
0x1f: {  	_ =	swait.ge [sflag:s30], $0x4000  }
0x20: {  	[sflag:s30] =	ssyncset.done $0x0  }
0x21: {  	s19 =	simm.s32 $0x0;
	[sflag:s30] =	ssyncadd.s32 $0xFFFFC000  }
0x22: {  	v1 =	vld.idx.msk [tilespmem:v0+s19+$0xFFFFFF80 ss:$0x1], $0xffff  }
0x23: {  	v2 =	vld.idx.msk [tilespmem:v0+s19+$0x0 ss:$0x1], $0xffff;
	_ =	sdelay $0x3  }
0x24: {  	v1 =	vmul.f32 $8.000000000e+00, v1  }
0x25: {  	v2 =	vmul.f32 $8.000000000e+00, v2  }
0x26: {  	[tilespmem:v0+s19+$0xFFFFFF80 ss:$0x1] =	vst.idx.msk $0xffff, v1  }
0x27: {  	[tilespmem:v0+s19+$0x0 ss:$0x1] =	vst.idx.msk $0xffff, v2;
	v1 =	vld.idx.msk [tilespmem:v0+s19+$0xFFFFFF90 ss:$0x1], $0xffff  }
0x28: {  	v2 =	vld.idx.msk [tilespmem:v0+s19+$0x10 ss:$0x1], $0xffff;
	_ =	sdelay $0x3  }
0x29: {  	v1 =	vmul.f32 $8.000000000e+00, v1  }
0x2a: {  	v2 =	vmul.f32 $8.000000000e+00, v2  }
0x2b: {  	[tilespmem:v0+s19+$0xFFFFFF90 ss:$0x1] =	vst.idx.msk $0xffff, v1  }
0x2c: {  	[tilespmem:v0+s19+$0x10 ss:$0x1] =	vst.idx.msk $0xffff, v2;
	v1 =	vld.idx.msk [tilespmem:v0+s19+$0xFFFFFFA0 ss:$0x1], $0xffff  }
0x2d: {  	v2 =	vld.idx.msk [tilespmem:v0+s19+$0x20 ss:$0x1], $0xffff;
	_ =	sdelay $0x3  }
0x2e: {  	v1 =	vmul.f32 $8.000000000e+00, v1  }
0x2f: {  	v2 =	vmul.f32 $8.000000000e+00, v2  }
0x30: {  	[tilespmem:v0+s19+$0xFFFFFFA0 ss:$0x1] =	vst.idx.msk $0xffff, v1  }
0x31: {  	[tilespmem:v0+s19+$0x20 ss:$0x1] =	vst.idx.msk $0xffff, v2;
	v1 =	vld.idx.msk [tilespmem:v0+s19+$0xFFFFFFB0 ss:$0x1], $0xffff  }
0x32: {  	v3 =	vld.idx.msk [tilespmem:v0+s19+$0x30 ss:$0x1], $0xffff;
	_ =	sdelay $0x3  }
0x33: {  	s31 =	sshll.u32 s17, $0xE  }
0x34: {  	s20 =	simm.s32 $0x400;
	s21 =	simm.s32 $0x800;
	s18 =	sadd.s32 $0x6400, s31;
	v2 =	vmul.f32 $8.000000000e+00, v1;
	v1 =	vmul.f32 $8.000000000e+00, v3  }
.LBB2_3:
0x35: {  	p0 =	sne.s32 s21, $0xFC00  }
0x36: {  	s22 =	sshra.s32 s20, $0x2;
	[tilespmem:v0+s19+$0xFFFFFFB0 ss:$0x1] =	vst.idx.msk $0xffff, v2;
	s20 =	smov.u32 s21;
	s21 =	sadd.s32 $0x400, s21  }
0x37: {  	v2 =	vld.idx.msk [tilespmem:v0+s22+$0xFFFFFF80 ss:$0x1], $0xffff;
	[tilespmem:v0+s19+$0x30 ss:$0x1] =	vst.idx.msk $0xffff, v1;
	s19 =	smov.u32 s22  }
0x38: {  	v1 =	vld.idx.msk [tilespmem:v0+s19+$0x0 ss:$0x1], $0xffff;
	_ =	sdelay $0x4  }
0x39: {  	v2 =	vmul.f32 $8.000000000e+00, v2  }
0x3a: {  	v1 =	vmul.f32 $8.000000000e+00, v1  }
0x3b: {  	[tilespmem:v0+s19+$0xFFFFFF80 ss:$0x1] =	vst.idx.msk $0xffff, v2  }
0x3c: {  	v2 =	vld.idx.msk [tilespmem:v0+s19+$0xFFFFFF90 ss:$0x1], $0xffff;
	[tilespmem:v0+s19+$0x0 ss:$0x1] =	vst.idx.msk $0xffff, v1  }
0x3d: {  	v1 =	vld.idx.msk [tilespmem:v0+s19+$0x10 ss:$0x1], $0xffff;
	_ =	sdelay $0x4  }
0x3e: {  	v2 =	vmul.f32 $8.000000000e+00, v2  }
0x3f: {  	v1 =	vmul.f32 $8.000000000e+00, v1  }
0x40: {  	[tilespmem:v0+s19+$0xFFFFFF90 ss:$0x1] =	vst.idx.msk $0xffff, v2  }
0x41: {  	v2 =	vld.idx.msk [tilespmem:v0+s19+$0xFFFFFFA0 ss:$0x1], $0xffff;
	[tilespmem:v0+s19+$0x10 ss:$0x1] =	vst.idx.msk $0xffff, v1  }
0x42: {  	v1 =	vld.idx.msk [tilespmem:v0+s19+$0x20 ss:$0x1], $0xffff;
	_ =	sdelay $0x4  }
0x43: {  	v2 =	vmul.f32 $8.000000000e+00, v2  }
0x44: {  	v1 =	vmul.f32 $8.000000000e+00, v1  }
0x45: {  	[tilespmem:v0+s19+$0xFFFFFFA0 ss:$0x1] =	vst.idx.msk $0xffff, v2  }
0x46: {  	v2 =	vld.idx.msk [tilespmem:v0+s19+$0xFFFFFFB0 ss:$0x1], $0xffff;
	[tilespmem:v0+s19+$0x20 ss:$0x1] =	vst.idx.msk $0xffff, v1  }
0x47: {  	v1 =	vld.idx.msk [tilespmem:v0+s19+$0x30 ss:$0x1], $0xffff;
	_ =	sdelay $0x1  }
.Ltmp0:
0x48: {  	(pc) =	sbr.rel @p0 .LBB2_3-.Ltmp0, $3  }
0x49: {  	_ =	sdelay $0x1  }
0x4a: {  	v2 =	vmul.f32 $8.000000000e+00, v2  }
0x4b: {  	v1 =	vmul.f32 $8.000000000e+00, v1  }
0x4c: {  	_ =	sdelay $0x3  }
0x4d: {  	s20 =	sshra.s32 s20, $0x2;
	[tilespmem:v0+s19+$0xFFFFFFB0 ss:$0x1] =	vst.idx.msk $0xffff, v2  }
0x4e: {  	v2 =	vld.idx.msk [tilespmem:v0+s20+$0xFFFFFF80 ss:$0x1], $0xffff;
	[tilespmem:v0+s19+$0x30 ss:$0x1] =	vst.idx.msk $0xffff, v1  }
0x4f: {  	v1 =	vld.idx.msk [tilespmem:v0+s20+$0x0 ss:$0x1], $0xffff;
	_ =	sdelay $0x3  }
0x50: {  	v2 =	vmul.f32 $8.000000000e+00, v2  }
0x51: {  	v1 =	vmul.f32 $8.000000000e+00, v1  }
0x52: {  	[tilespmem:v0+s20+$0xFFFFFF80 ss:$0x1] =	vst.idx.msk $0xffff, v2  }
0x53: {  	v2 =	vld.idx.msk [tilespmem:v0+s20+$0xFFFFFF90 ss:$0x1], $0xffff;
	[tilespmem:v0+s20+$0x0 ss:$0x1] =	vst.idx.msk $0xffff, v1  }
0x54: {  	v1 =	vld.idx.msk [tilespmem:v0+s20+$0x10 ss:$0x1], $0xffff;
	_ =	sdelay $0x3  }
0x55: {  	v2 =	vmul.f32 $8.000000000e+00, v2  }
0x56: {  	v1 =	vmul.f32 $8.000000000e+00, v1  }
0x57: {  	[tilespmem:v0+s20+$0xFFFFFF90 ss:$0x1] =	vst.idx.msk $0xffff, v2  }
0x58: {  	v2 =	vld.idx.msk [tilespmem:v0+s20+$0xFFFFFFA0 ss:$0x1], $0xffff;
	[tilespmem:v0+s20+$0x10 ss:$0x1] =	vst.idx.msk $0xffff, v1  }
0x59: {  	v1 =	vld.idx.msk [tilespmem:v0+s20+$0x20 ss:$0x1], $0xffff;
	_ =	sdelay $0x3  }
0x5a: {  	v2 =	vmul.f32 $8.000000000e+00, v2  }
0x5b: {  	v1 =	vmul.f32 $8.000000000e+00, v1  }
0x5c: {  	[tilespmem:v0+s20+$0xFFFFFFA0 ss:$0x1] =	vst.idx.msk $0xffff, v2  }
0x5d: {  	v2 =	vld.idx.msk [tilespmem:v0+s20+$0xFFFFFFB0 ss:$0x1], $0xffff;
	[tilespmem:v0+s20+$0x20 ss:$0x1] =	vst.idx.msk $0xffff, v1  }
0x5e: {  	v1 =	vld.idx.msk [tilespmem:v0+s20+$0x30 ss:$0x1], $0xffff;
	_ =	sdelay $0x1  }
0x5f: {  	s31 =	sadd.s32 s5, s16;
	s16 =	sadd.s32 $0x1, s16  }
0x60: {  	p0 =	sne.s32 s16, $0xC8  }
.Ltmp1:
0x61: {  	v2 =	vmul.f32 $8.000000000e+00, v2;
	(pc) =	sbr.rel @p0 .LBB2_2-.Ltmp1, $4  }
0x62: {  	v1 =	vmul.f32 $8.000000000e+00, v1  }
0x63: {  	s19 =	sshll.u32 s31, $0xB;
	[tilespmem:v0+s20+$0xFFFFFFB0 ss:$0x1] =	vst.idx.msk $0xffff, v2  }
0x64: {  	s17 =	sadd.s32 $0x5, s17;
	s15 =	sadd.s32 $0x1, s15;
	s19 =	sadd.s32 s4, s19;
	[tilespmem:v0+s20+$0x30 ss:$0x1] =	vst.idx.msk $0xffff, v1  }
0x65: {  	[hbm4b:s19+s2] =	stream.linear.scatter [tilespmem:s18], [sflag:s17], $0x4000, $0x38;
	[tilespmem:$0x16400] =	vst v63  }
0x66: {  	s14 =	sadd.s32 $0x1, s14  }
0x67: {  	_ =	swait.ge [sflag:s12], $0x4000;
	p0 =	sne.s32 s14, s7  }
.Ltmp2:
0x68: {  	[sflag:s12] =	ssyncset.done $0x0;
	(pc) =	sbr.rel @p0 .LBB2_1-.Ltmp2, $4  }
0x69: {  	[sflag:s12] =	ssyncadd.s32 $0xFFFFC000  }
0x6a: {  	_ =	swait.ge [sflag:s13], $0x4000  }
0x6b: {  	[sflag:s13] =	ssyncset.done $0x0  }
0x6c: {  	[sflag:s13] =	ssyncadd.s32 $0xFFFFC000  }
0x6d: {  	_ =	sfence.sel $0x180000  }
0x6e: {  	[bflag:$0x0] =	sbarrier.arrive $0xFFFF  }
0x6f: {  	p0 =	sne.s32 s1, $0x0;
	_ =	strace $0x90000047  }
0x70: {  	s0 =	sadd.s32 @!p0 $0x100000, s0;
	[bflag:$0x2] =	sbarrier.arrive $0xFFFF  }
0x71: {  	[sflag:s0] =	ssyncadd.tile.s32 @!p0 $0x1;
	_ =	shalt  }
.Lfunc_end2:
_tile_overlayer_lowered:
.L_overlay_start_2:
0x72: {  	(tag) =	ssettag $0x2  }
0x73: {  	s0 =	rddreg [dreg:$0x0];
	s2 =	stileid.u32  }
0x74: {  	s1 =	rddreg [dreg:$0x1];
	p0 =	sne.s32 s2, $0x0  }
0x75: {  	s3 =	rddreg [dreg:$0x2];
	[bflag:$0x3] =	sbarrier.arrive $0xFFFF;
	s2 =	simm.s32 @!p0 $0x1C09  }
0x76: {  	[timem:s3], [sflag:s2] =	dma.local @!p0 [hbm:s0], s1  }
0x77: {  	s0 =	simm.s32 @!p0 $0x9  }
0x78: {  	_ =	swait.ge @!p0 [sflag:s0], s1  }
0x79: {  	s1 =	ssub.s32 @!p0 $0x0, s1;
	[sflag:s0] =	ssyncset.done @!p0 $0x0  }
0x7a: {  	[sflag:s0] =	ssyncadd.s32 @!p0 s1  }
0x7b: {  	[bflag:$0x3] =	sbarrier.arrive $0xFFFF  }
0x7c: {  	_ =	shalt  }

// kernel: sparse-core-data-format-call.cloned.1.call-start
scs
called_computation_lowered:
.L_overlay_start_0:
0x0: {  	s2 =	sld [smem:$0x3FD9]  }
0x1: {  	s3 =	sld [smem:$0x3FFE];
	_ =	sdelay $0x1  }
0x2: {  	s1 =	srdreg.scid  }
0x3: {  	s0 =	sand.u32 $0x1, s1  }
0x4: {  	s18 =	sshll.u32 s0, $0xA;
	s2 =	sadd.s32 s3, s2  }
0x5: {  	s2 =	sadd.s32 s2, s18  }
0x6: {  	[smem:$0x3FC6] =	sst s2  }
0x7: {  	_ = 	snop  }
0x8: {  	s2 =	sld [smem:$0x3FD0];
	(tm) =	ssettm $0x1  }
0x9: {  	s19 =	sld [smem:$0x3FFB];
	_ =	sdelay $0x3  }
0xa: {  	_ =	strace s19  }
0xb: {  	s3 =	sld [smem:$0x3FFC];
	_ =	sdelay $0x3  }
0xc: {  	_ =	strace s3  }
0xd: {  	s3 =	sld [smem:$0x3FFD];
	_ =	sdelay $0x3  }
0xe: {  	_ =	strace s3  }
0xf: {  	_ =	strace $0x8FFFFFFF  }
0x10: {  	s20 =	sld [smem:$0x3FDB];
	_ =	sdelay $0x1  }
0x11: {  	s4 =	simm.s32 $_scs_section_size  }
0x12: {  	s5 =	simm.s32 $_size__tile_overlayer_lowered;
	s6 =	simm.s32 $_tile_overlayer_lowered  }
0x13: {  	s23 =	simm.s32 $0x1BFF;
	s22 =	sshll.u32 s6, $0x1;
	s3 =	sadd.s32 s4, s20  }
0x14: {  	s7 =	simm.s32 $0x0;
	s21 =	sshll.u32 s5, $0x1;
	s5 =	sadd.s32 s22, s3  }
0x15: {  	[timem:s7], [sflag:s23] =	dma.local [hbm:s5], s21  }
0x16: {  	_ =	swait.ge [sflag:s23], s21  }
0x17: {  	s4 =	ssub.s32 $0x0, s21;
	[sflag:s23] =	ssyncset.done $0x0  }
0x18: {  	[sflag:s23] =	ssyncadd.s32 s4;
	_ =	sdelay $0x1  }
0x19: {  	s24 =	simm.s32 $0x1B8B  }
0x1a: {  	_ =	swait.ge [sflag:s24], $0x1  }
0x1b: {  	[sflag:s24] =	ssyncset.done $0x0  }
0x1c: {  	s26 =	simm.s32 $0x1B8E;
	s25 =	sld [smem:$0x3FFE];
	[sflag:s24] =	ssyncadd.s32 $0xFFFFFFFF  }
0x1d: {  	s27 =	simm.s32 $execute0_lowered;
	[smem:$0x3FD2] =	sst s26  }
0x1e: {  	s5 =	sshll.u32 s27, $0x1;
	_ =	strace $0x80000049;
	[dreg:$0x1] =	wrdreg $0xFFFFFFFF  }
0x1f: {  	s28 =	simm.s32 $_size_execute0_lowered;
	s3 =	sadd.s32 s3, s5;
	[dreg:$0x0] =	wrdreg $0x0  }
0x20: {  	s5 =	sshll.u32 s28, $0x1;
	[dreg:$0x2] =	wrdreg s3  }
0x21: {  	[dreg:$0x3] =	wrdreg s5  }
0x22: {  	[dreg:$0x4] =	wrdreg $0xC0  }
0x23: {  	_ =	task [dreg:s7], $0x5FFFF  }
0x24: {  	[dreg:$0x1] =	wrdreg $0xFFFFFFFF  }
0x25: {  	[dreg:$0x0] =	wrdreg $0x60  }
0x26: {  	[dreg:$0x2] =	wrdreg s25  }
0x27: {  	[dreg:$0x3] =	wrdreg s2  }
0x28: {  	[dreg:$0x4] =	wrdreg $0x9  }
0x29: {  	_ =	task.clear_ibuf [dreg:s7], $0x5FFFF;
	_ =	strace $0x90000049  }
0x2a: {  	s29 =	simm.s32 $0x9;
	_ =	strace $0x8000004B  }
0x2b: {  	_ =	swait.ge [sflag:s29], $0x1  }
0x2c: {  	[sflag:s29] =	ssyncadd.s32 $0xFFFFFFFF  }
0x2d: {  	_ =	strace $0x9000004B  }
0x2e: {  	_ =	sfence  }
0x2f: {  	s30 =	sld [smem:$0x0];
	_ =	sdelay $0x2  }
0x30: {  	s31 =	sshll.u32 s1, $0xD;
	s1 =	sshrl.u32 s1, $0x2  }
0x31: {  	s3 =	sand.u32 $0x4000, s31;
	s1 =	sadd.s32 s1, s30  }
0x32: {  	s0 =	sor.u32 s3, s0;
	s1 =	sshll.u32 s1, $0x11  }
0x33: {  	s0 =	sor.u32 s1, s0  }
0x34: {  	s0 =	sadd.s32 $0x8F2B, s0  }
0x35: {  	[sflag:s0] =	ssyncadd.remote.s32 $0x1  }
0x36: {  	_ =	sfence.sel $0xFFFF  }
0x37: {  	[dreg:$0x0] =	wrdreg $0xFFFFFFFF;
	(pc) =	sbr.abs _section_cstart, $3  }
0x38: {  	[dreg:$0x1] =	wrdreg $0xFFFFFFFF  }
0x39: {  	_ =	task.clear_ibuf [dreg:s7], $0x2FFFF;
	_ =	strace $0x9FFFFFFF  }
0x3a: {  	(tm) =	ssettm $0x7FFFFFFF  }
0x3b: {  	_ =	shalt  }
tec
execute0_lowered:
.L_overlay_start_1:
0x0: {  	(tag) =	ssettag $0x1  }
0x1: {  	s0 =	srdreg.scid  }
0x2: {  	s1 =	sshll.u32 s0, $0x4  }
0x3: {  	s0 =	stileid.u32;
	s1 =	sand.u32 $0x10, s1  }
0x4: {  	s1 =	sor.u32 s0, s1  }
0x5: {  	s6 =	rddreg [dreg:$0x0];
	s4 =	simm.s32 $0x1;
	s2 =	sshll.u32 s1, $0x7  }
0x6: {  	s7 =	simm.s32 $0x2;
	s12 =	simm.s32 $0x0;
	s1 =	ssub.s32 $0x1000, s2  }
0x7: {  	s8 =	simm.s32 $0x8000;
	s13 =	simm.s32 $0x0;
	s3 =	sand.u32 $0xF80, s1  }
0x8: {  	s9 =	simm.s32 $0x0;
	s5 =	sshrl.u32 s1, $0xC;
	p0 =	sne.s32 s3, $0x0  }
.Ltmp0:
0x9: {  	s1 =	rddreg [dreg:$0x2];
	s4 =	simm.s32 @!p0 $0x0;
	(pc) =	sbr.rel .LBB1_1-.Ltmp0, $4  }
0xa: {  	s11 =	simm.s32 $0x0;
	s3 =	rddreg [dreg:$0x1];
	s5 =	sadd.s32 s4, s5  }
0xb: {  	_ =	strace $0x8000004A;
	s4 =	simm.s32 $0x1;
	s5 =	smul.u32 $0xC8, s5  }
0xc: {  	s6 =	sadd.s32 $0xA00, s6;
	s10 =	smov.u32 s2;
	[sflag:s4] =	ssyncpa.u1 $0x0  }
0xd: {  	p0 =	por $0x0, $0x0;
	[sflag:s7] =	ssyncpa.u1 $0x0;
	s7 =	sor.u32 $0x1, s5  }
.LBB1_4:
0xe: {  	s16 =	sshll.u32 s13, $0x3;
	s17 =	sand.u32 $0x78, s13  }
0xf: {  	s30 =	sand.u32 $0x7E00, s13;
	s12 =	sshll.u32 s12, $0xF;
	s16 =	sand.u32 $0xC00, s16  }
0x10: {  	[tilespmem:s15+$0x810 ss:$0x81] =	vst.msk $0xffff, v2;
	s31 =	sand.u32 $0x7, s13;
	s16 =	sor.u32 s17, s16;
	s17 =	sadd.s32 s3, s30  }
0x11: {  	[tilespmem:s15+$0x1020 ss:$0x81] =	vst.msk $0xffff, v0;
	s13 =	sshll.u32 s31, $0x12;
	s12 =	sadd.s32 s12, s17;
	s16 =	sshrl.u32 s16, $0x3  }
0x12: {  	[tilespmem:s15+$0x0 ss:$0x81] =	vst.msk $0xffff, v1;
	s13 =	sor.u32 $0x400, s13;
	s12 =	sadd.s32 s16, s12  }
0x13: {  	[hbm4b:s12+s13] =	stream.strided.scatter [tilespmem:s14], [sflag:$0x2], $0x2000, s8, s13, $0x20;
	[tilespmem:$0x8080] =	vst v63  }
.LBB1_5:
0x14: {  	s14 =	sadd.s32 $0x1, s9  }
0x15: {  	s12 =	sadd.s32 $0x1000, s10;
	s16 =	smov.u32 s10;
	p2 =	sgt.s32 s14, $0xC7  }
0x16: {  	s16 =	smov.u32 @p2 s12  }
0x17: {  	s14 =	simm.s32 @p2 $0x0;
	p2 =	sgt.s32 s16, $0xFFF  }
0x18: {  	s16 =	smov.u32 @p2 s2;
	p2 =	sne.s32 s11, s7  }
.Ltmp1:
0x19: {  	p1 =	slt.u32 s11, $0x2;
	(pc) =	sbr.rel @!p2 .LBB1_6-.Ltmp1, $4  }
0x1a: {  	s15 =	simm.s32 @!p1 $0x2  }
0x1b: {  	s13 =	smov.u32 s10;
	p0 =	por !p0, !p0;
	_ =	swait.ge @!p1 [sflag:s15], $0x2000  }
0x1c: {  	s12 =	smov.u32 s9;
	[sflag:s15] =	ssyncset.done @!p1 $0x0;
	s9 =	smov.u32 s14  }
0x1d: {  	s11 =	sadd.s32 $0x1, s11;
	[sflag:s15] =	ssyncadd.s32 @!p1 $0xFFFFE000;
	s10 =	smov.u32 s16  }
.LBB1_1:
0x1e: {  	p1 =	sge.u32 s11, s5  }
0x1f: {  	s14 =	sand.u32 @!p1 $0x1FFFFFF, s9  }
0x20: {  	s15 =	smulhi.u32 @!p1 $0x147AE15, s14;
	_ =	sdelay $0x1  }
0x21: {  	s15 =	smul.u32 @!p1 $0xC8, s15  }
0x22: {  	s16 =	sxor.u32 @!p1 $0xFFFFFFFF, s11;
	s17 =	smul.u32 @!p1 $0xC80, s10  }
0x23: {  	s31 =	sadd.s32 $0xFFFFFFFF, s11;
	s16 =	sshll.u32 @!p1 s16, $0xD;
	s14 =	ssub.s32 @!p1 s14, s15  }
0x24: {  	s15 =	sand.u32 @!p1 $0x2000, s16;
	s16 =	sadd.s32 @!p1 s6, s17;
	s14 =	sshll.u32 @!p1 s14, $0x4  }
0x25: {  	s17 =	simm.s32 @!p1 $0x6400;
	s14 =	sadd.s32 @!p1 s14, s16;
	s16 =	simm.s32 @!p1 $0x40  }
0x26: {  	[tilespmem:s15], [sflag:$0x1] =	stream.strided.gather @!p1 [hbm4b:s14+s16], $0x2000, s17, s16, $0x38;
	[tilespmem:$0x8080] =	vst v63  }
0x27: {  	p1 =	sge.u32 s31, s5  }
.Ltmp2:
0x28: {  	_ = 	snop;
	(pc) =	sbr.rel @p1 .LBB1_5-.Ltmp2, $1  }
0x29: {  	_ =	sdelay $0x3  }
0x2a: {  	s14 =	simm.s32 $0x1  }
0x2b: {  	_ =	swait.ge [sflag:s4], $0x2000;
	s14 =	simm.s32 @!p0 $0x0  }
0x2c: {  	[sflag:s4] =	ssyncset.done $0x0;
	s15 =	sshll.u32 s14, $0xD  }
0x2d: {  	[sflag:s4] =	ssyncadd.s32 $0xFFFFE000;
	s18 =	sor.u32 $0x20, s15  }
0x2e: {  	s14 =	smul.u32 $0x8100, s14;
	v3 =	vld [tilespmem:s18+$0x10]  }
0x2f: {  	s30 =	sand.u32 $0x1, s11;
	v2 =	vld [tilespmem:s18+$0xFFFFFFF0]  }
0x30: {  	s15 =	smul.u32 $0x8100, s30;
	s14 =	sshrl.u32 s14, $0x2;
	v0 =	vld [tilespmem:s18+$0x0]  }
0x31: {  	v1 =	vld [tilespmem:s18+$0xFFFFFFE0];
	s16 =	sor.u32 $0x4000, s14  }
0x32: {  	s31 =	sshrl.u32 s15, $0x2;
	s15 =	sadd.s32 $0x0, s16  }
0x33: {  	s17 =	simm.s32 $0x4;
	s18 =	sadd.s32 $0x40, s18;
	s14 =	sor.u32 $0x4000, s31;
	[tilespmem:s15+$0x1830 ss:$0x81] =	vst.msk $0xffff, v3  }
.LBB1_3:
0x34: {  	v3 =	vld [tilespmem:s18+$0x10];
	p1 =	sne.s32 s17, $0x1FC;
	[tilespmem:s15+$0x810 ss:$0x81] =	vst.msk $0xffff, v2;
	s19 =	smov.u32 s17;
	s17 =	sadd.s32 $0x4, s17  }
.Ltmp3:
0x35: {  	v2 =	vld [tilespmem:s18+$0xFFFFFFF0];
	[tilespmem:s15+$0x1020 ss:$0x81] =	vst.msk $0xffff, v0;
	(pc) =	sbr.rel @p1 .LBB1_3-.Ltmp3, $4  }
0x36: {  	v0 =	vld [tilespmem:s18+$0x0];
	[tilespmem:s15+$0x0 ss:$0x81] =	vst.msk $0xffff, v1  }
0x37: {  	s15 =	sshra.s32 s19, $0x2;
	v1 =	vld [tilespmem:s18+$0xFFFFFFE0]  }
0x38: {  	s15 =	sadd.s32 s15, s16  }
0x39: {  	s18 =	sadd.s32 $0x40, s18;
	[tilespmem:s15+$0x1830 ss:$0x81] =	vst.msk $0xffff, v3  }
.Ltmp4:
0x3a: {  	_ = 	snop;
	(pc) =	sbr.rel .LBB1_4-.Ltmp4, $1  }
0x3b: {  	_ =	sdelay $0x3  }
.LBB1_6:
0x3c: {  	_ =	sfence.sel $0x180000  }
0x3d: {  	s2 =	simm.s32 $0x1;
	[bflag:$0x0] =	sbarrier.arrive $0xFFFF  }
0x3e: {  	s31 =	simm.s32 $0x2;
	[sflag:s2] =	ssyncpa.u1 $0x1  }
0x3f: {  	[sflag:s31] =	ssyncpa.u1 $0x1  }
0x40: {  	p0 =	sne.s32 s0, $0x0;
	_ =	strace $0x9000004A  }
0x41: {  	s0 =	sadd.s32 @!p0 $0x100000, s1;
	[bflag:$0x2] =	sbarrier.arrive $0xFFFF  }
0x42: {  	[sflag:s0] =	ssyncadd.tile.s32 @!p0 $0x1;
	_ =	shalt  }
.Lfunc_end1:
_tile_overlayer_lowered:
.L_overlay_start_2:
0x43: {  	(tag) =	ssettag $0x2  }
0x44: {  	s0 =	rddreg [dreg:$0x0];
	s2 =	stileid.u32  }
0x45: {  	s1 =	rddreg [dreg:$0x1];
	p0 =	sne.s32 s2, $0x0  }
0x46: {  	s3 =	rddreg [dreg:$0x2];
	[bflag:$0x3] =	sbarrier.arrive $0xFFFF;
	s2 =	simm.s32 @!p0 $0x1C01  }
0x47: {  	[timem:s3], [sflag:s2] =	dma.local @!p0 [hbm:s0], s1  }
0x48: {  	s0 =	simm.s32 @!p0 $0x1  }
0x49: {  	_ =	swait.ge @!p0 [sflag:s0], s1  }
0x4a: {  	s1 =	ssub.s32 @!p0 $0x0, s1;
	[sflag:s0] =	ssyncset.done @!p0 $0x0  }
0x4b: {  	[sflag:s0] =	ssyncadd.s32 @!p0 s1  }
0x4c: {  	[bflag:$0x3] =	sbarrier.arrive $0xFFFF  }
0x4d: {  	_ =	shalt  }

</sc_bundles>
